<compile_context>
chip_gen: v7x
topology: tpu7x:2x2x1
jax: 0.10.2.dev20260603
libtpu: 0.0.44.dev20260713+nightly
codegen_flags: <defaults>
</compile_context>

<pallas_src>
import functools

import jax
import jax.numpy as jnp
from jax import lax
from jax.experimental import pallas as pl
from jax.experimental.pallas import tpu as pltpu
from jax.experimental.pallas import tpu_sc as plsc

_MAP_H = 64
_MAP_W = 128
_L1_REG = 0.1
_WEIGHT = 1.0


def _make_sc_gather(B, N, T, H, W):
    info = plsc.get_sparse_core_info()
    NC, NS, L = info.num_cores, info.num_subcores, info.num_lanes
    NW = NC * NS
    total_traj = B * N
    traj_per_w = total_traj // NW
    assert total_traj % NW == 0 and traj_per_w % 8 == 0
    n_full = T // L
    tail = T - n_full * L
    mesh = plsc.VectorSubcoreMesh(core_axis_name="c", subcore_axis_name="s")

    @functools.partial(
        pl.kernel,
        mesh=mesh,
        compiler_params=pltpu.CompilerParams(needs_layout_passes=False),
        out_type=(jax.ShapeDtypeStruct((total_traj,), jnp.float32),
                  jax.ShapeDtypeStruct((NW * L,), jnp.float32)),
        scratch_types=[
            pltpu.VMEM((H, W), jnp.float32),
            pltpu.VMEM((traj_per_w, T), jnp.int32),
            pltpu.VMEM((traj_per_w,), jnp.float32),
            pltpu.VMEM((L,), jnp.float32),
            pltpu.SemaphoreType.DMA,
        ],
    )
    def sc_gather(pred_hbm, poses_hbm, out_hbm, l1_hbm,
                  pred_v, poses_v, reward_v, l1_v, sem):
        wid = lax.axis_index("s") * NC + lax.axis_index("c")
        base = wid * traj_per_w
        b = base // N
        cp1 = pltpu.async_copy(pred_hbm.at[b], pred_v, sem)
        cp2 = pltpu.async_copy(poses_hbm.at[pl.ds(base, traj_per_w)], poses_v, sem)
        cp1.wait()
        cp2.wait()

        lane = lax.iota(jnp.int32, L)
        tail_mask = lane >= (L - tail)
        write_mask = lane == 0

        def rc(pw):
            return pw & 0xFFFF, lax.shift_right_logical(pw, 16)

        def one_traj(n):
            acc = jnp.zeros((L,), jnp.float32)
            for j in range(n_full):
                r, c = rc(poses_v[n, pl.ds(j * L, L)])
                acc = acc + plsc.load_gather(pred_v, [r, c])
            if tail:
                r, c = rc(poses_v[n, pl.ds(T - L, L)])
                g = plsc.load_gather(pred_v, [r, c])
                acc = acc + jnp.where(tail_mask, g, 0.0)
            return jnp.sum(acc)

        def body(m, carry):
            n = m * 2
            t0 = one_traj(n)
            t1 = one_traj(n + 1)
            plsc.store_scatter(reward_v, [jnp.full((L,), n, jnp.int32)],
                               jnp.full((L,), t0, jnp.float32),
                               mask=write_mask)
            plsc.store_scatter(reward_v, [jnp.full((L,), n + 1, jnp.int32)],
                               jnp.full((L,), t1, jnp.float32),
                               mask=write_mask)
            return carry

        lax.fori_loop(0, traj_per_w // 2, body, 0)
        pltpu.sync_copy(reward_v, out_hbm.at[pl.ds(base, traj_per_w)])

        half = (H * W) // 2
        hoff = (wid % 2) * half

        rows_per_it = (8 * L) // W
        def l1_body(i, acc):
            o = (hoff + i * (8 * L)) // W
            for u in range(8 * L // W):
                acc16 = jnp.zeros((L,), jnp.float32)
                for v in range(W // L):
                    acc16 = acc16 + jnp.abs(pred_v[o + u, pl.ds(v * L, L)])
                acc = acc + acc16
            return acc

        acc16 = lax.fori_loop(0, half // (8 * L), l1_body,
                              jnp.zeros((L,), jnp.float32))
        l1_v[...] = jnp.zeros((L,), jnp.float32)
        plsc.store_scatter(l1_v, [jnp.full((L,), 0, jnp.int32)],
                           jnp.full((L,), jnp.sum(acc16), jnp.float32),
                           mask=write_mask)
        pltpu.sync_copy(l1_v, l1_hbm.at[pl.ds(wid * L, L)])

    return sc_gather


def _tc_loss_body(l1p_ref, reward_ref, ranks_ref, out_ref, *, B, N, n_elem):
    l1 = jnp.sum(l1p_ref[...]) / n_elem

    ranks = ranks_ref[...]
    reward = reward_ref[...]
    pref = ranks == 0
    nprf = ranks > 0
    preff = pref.astype(jnp.float32)
    nprff = nprf.astype(jnp.float32)

    ii = lax.broadcasted_iota(jnp.int32, (N, N), 0)
    jj = lax.broadcasted_iota(jnp.int32, (N, N), 1)
    tri = (ii <= jj).astype(jnp.float32)
    pos_p = lax.dot(preff, tri).astype(jnp.int32) - 1
    pos_q = lax.dot(nprff, tri).astype(jnp.int32) - 1

    Np = jnp.sum(preff, axis=1, keepdims=True)
    Nn = jnp.sum(nprff, axis=1, keepdims=True)
    Npi = Np.astype(jnp.int32)
    Nni = Nn.astype(jnp.int32)

    def gcd_step(_, xy):
        x, y = xy
        cont = y > 0
        return (jnp.where(cont, y, x),
                jnp.where(cont, lax.rem(x, jnp.maximum(y, 1)), 0))

    gi, _ = lax.fori_loop(0, 12, gcd_step, (Npi, Nni))
    gsafe = jnp.maximum(gi, 1)
    rp = lax.rem(jnp.maximum(pos_p, 0), gsafe)
    rq = lax.rem(jnp.maximum(pos_q, 0), gsafe)

    A = reward[:, :, None]
    C = reward[:, None, :]
    m2 = jnp.maximum(A, C)
    nc = m2 + jnp.log1p(jnp.exp(-jnp.abs(A - C)))
    ap = A - nc
    cp = C - nc
    p1 = ap / (ap + cp + 1e-6)

    eq = rp.astype(jnp.float32)[:, :, None] == rq.astype(jnp.float32)[:, None, :]
    wf = (preff[:, :, None] * nprff[:, None, :]) * jnp.where(eq, 1.0, 0.0)
    w = wf > 0
    gf = gi.astype(jnp.float32)[:, :, None]

    nv = (Np * Nn)[:, 0]
    has = nv > 0
    S = jnp.sum(wf * p1 * gf, axis=(1, 2))
    M = jnp.max(jnp.where(w, p1, -jnp.inf), axis=(1, 2))
    Msafe = jnp.where(has, M, 0.0)
    Z = jnp.sum(wf * jnp.exp(p1 - Msafe[:, None, None]), axis=(1, 2)) * gf[:, 0, 0]
    logZ = jnp.where(has, jnp.log(jnp.maximum(Z, 1e-30)), 0.0)
    cls = jnp.where(has, nv * (Msafe + logZ) - S, 0.0)

    total = jnp.sum(cls)
    pairs = jnp.sum(nv)
    out_ref[0, 0] = _WEIGHT * total / (pairs + _L1_REG * l1)


def kernel(pred, poses, ranks):
    B, _, H, W = pred.shape
    N = poses.shape[1]
    T = poses.shape[2]
    pred3 = pred.reshape(B, H, W)
    poses_packed = lax.bitcast_convert_type(
        poses.astype(jnp.int16), jnp.int32).reshape(B * N, T)

    reward_flat, l1_parts = _make_sc_gather(B, N, T, H, W)(pred3, poses_packed)
    reward = reward_flat.reshape(B, N)

    out = pl.pallas_call(
        functools.partial(_tc_loss_body, B=B, N=N, n_elem=float(B * H * W)),
        out_shape=jax.ShapeDtypeStruct((1, 1), jnp.float32),
        out_specs=pl.BlockSpec(memory_space=pltpu.SMEM),
    )(l1_parts, reward, ranks)
    return out.reshape(())

# --- scband reference (transcript-rebuilt; emitter-appended) ---
"""Pipeline reference for scband-trexloss-78993038508421 (READ-ONLY COPY).

The authoritative reference and input builder live on the scoring server;
editing this copy changes nothing except your own understanding.
"""

import jax, jax.numpy as jnp
import numpy as np

MAP_SZ = (64, 128)
L1_REG = 0.1
WEIGHT = 1.0


def setup_inputs(seed: int = 0) -> dict:
    key = jax.random.key(seed)
    k1, k2, k3 = jax.random.split(key, 3)
    pred = jax.random.normal(k1, (16, 1, 64, 128), dtype=jnp.float32)
    # poses are already-preprocessed integer map coordinates in [0, min(map_sz))
    poses = jax.random.randint(k2, (16, 128, 200, 2), 0, 64, dtype=jnp.int32)
    ranks = jax.random.randint(k3, (16, 128), 0, 4, dtype=jnp.int32)
    return {"pred": pred, "poses": poses, "ranks": ranks}


def reference(pred, poses, ranks):
    l1_loss = jnp.mean(jnp.abs(pred))
    B = pred.shape[0]
    N = poses.shape[1]
    total_loss = jnp.asarray(0.0, dtype=jnp.float32)
    num_pairs = jnp.asarray(0, dtype=jnp.int32)
    pair_idx = jnp.arange(N * N, dtype=jnp.int32)
    for b in range(B):
        pred_b = pred[b, 0]  # squeeze -> [H, W]
        pref_mask = ranks[b] == 0
        not_pref_mask = ranks[b] > 0
        reward_all_sum = pred_b[poses[b, :, :, 0], poses[b, :, :, 1]].sum(axis=1)
        Np = jnp.sum(pref_mask).astype(jnp.int32)
        Nn = jnp.sum(not_pref_mask).astype(jnp.int32)
        pref_order = jnp.argsort(jnp.logical_not(pref_mask), stable=True)
        not_pref_order = jnp.argsort(jnp.logical_not(not_pref_mask), stable=True)
        reward_pref_sum = reward_all_sum[pref_order]
        reward_not_pref_sum = reward_all_sum[not_pref_order]
        n_valid = Np * Nn
        valid = pair_idx < n_valid
        # torch .repeat == jnp.tile: tiled entry i pairs pref[i mod Np] with not_pref[i mod Nn]
        tiled_pref = reward_pref_sum[pair_idx % jnp.maximum(Np, 1)]
        tiled_not_pref = reward_not_pref_sum[pair_idx % jnp.maximum(Nn, 1)]
        reward_pairs = jnp.stack([tiled_pref, tiled_not_pref], axis=1)
        labels = jnp.ones(N * N, dtype=jnp.float32)
        nc = jax.scipy.special.logsumexp(reward_pairs, axis=1)
        reward_pairs = jnp.stack([reward_pairs[:, 0] - nc, reward_pairs[:, 1] - nc], axis=1)
        p1 = reward_pairs[:, 0] / (reward_pairs[:, 0] + reward_pairs[:, 1] + 1e-06)
        x_max = jnp.max(jnp.where(valid, p1, -jnp.inf))
        unnormalized = jnp.exp(p1 - x_max)
        p1 = unnormalized / jnp.sum(jnp.where(valid, unnormalized, 0.0))
        # torch BCELoss(reduction='sum') with log clamped at -100
        logp = jnp.clip(jnp.log(p1), -100.0, None)
        log1mp = jnp.clip(jnp.log(1.0 - p1), -100.0, None)
        cls_loss = -jnp.sum(jnp.where(valid, labels * logp + (1.0 - labels) * log1mp, 0.0))
        total_loss = total_loss + cls_loss
        num_pairs = num_pairs + n_valid
    total_loss = total_loss / (num_pairs + L1_REG * l1_loss)
    return WEIGHT * total_loss

if __name__ == "__main__":
    import jax
    _d = setup_inputs()
    print(jax.jit(kernel)(*tuple(_d.values())))

</pallas_src>

<mosaic_0001>
#map = affine_map<(d0, d1) -> (0, 0, 0)>
#map1 = affine_map<(d0, d1) -> (0, 0)>
#map2 = affine_map<(d0, d1) -> (0)>
module attributes {stable_mosaic.version = 14 : i64} {
  func.func @sc_gather(%arg0: i32, %arg1: i32, %arg2: memref<16x64x128xf32, #tpu.memory_space<hbm>>, %arg3: memref<2048x200xi32, #tpu.memory_space<hbm>>, %arg4: memref<2048xf32, #tpu.memory_space<hbm>>, %arg5: memref<512xf32, #tpu.memory_space<hbm>>, %arg6: memref<64x128xf32, #tpu.memory_space<vmem>>, %arg7: memref<64x200xi32, #tpu.memory_space<vmem>>, %arg8: memref<64xf32, #tpu.memory_space<vmem>>, %arg9: memref<16xf32, #tpu.memory_space<vmem>>, %arg10: memref<!tpu.dma_semaphore, #tpu.memory_space<semaphore_mem>>) attributes {dimension_semantics = [#tpu.dimension_semantics<core_parallel>, #tpu.dimension_semantics<subcore_parallel>], iteration_bounds = array<i64: 2, 16>, scalar_prefetch = 0 : i64, scratch_operands = 5 : i64, tpu.core_type = #tpu.core_type<sc_vector_subcore>, window_params = [{transform_indices = #map}, {transform_indices = #map1}, {transform_indices = #map2}, {transform_indices = #map2}]} {
    %mul3A = arith.constant 2 : i32
    %mul3A_0 = arith.muli %arg1, %mul3A : i32
    %add3A = arith.addi %mul3A_0, %arg0 : i32
    %mul3A_1 = arith.constant 64 : i32
    %mul3A_2 = arith.muli %add3A, %mul3A_1 : i32
    %jit3A = arith.constant 128 : i32
    %div3A = arith.divsi %mul3A_2, %jit3A : i32
    %sign3A = arith.constant 0 : i32
    %sign3A_3 = arith.cmpi sgt, %mul3A_2, %sign3A : i32
    %sign3A_4 = arith.extui %sign3A_3 : i1 to i32
    %sign3A_5 = arith.constant 0 : i32
    %sign3A_6 = arith.cmpi slt, %mul3A_2, %sign3A_5 : i32
    %sign3A_7 = arith.extui %sign3A_6 : i1 to i32
    %sign3A_8 = arith.subi %sign3A_4, %sign3A_7 : i32
    %sign3A_9 = arith.constant 0 : i32
    %sign3A_10 = arith.cmpi sgt, %jit3A, %sign3A_9 : i32
    %sign3A_11 = arith.extui %sign3A_10 : i1 to i32
    %sign3A_12 = arith.constant 0 : i32
    %sign3A_13 = arith.cmpi slt, %jit3A, %sign3A_12 : i32
    %sign3A_14 = arith.extui %sign3A_13 : i1 to i32
    %sign3A_15 = arith.subi %sign3A_11, %sign3A_14 : i32
    %ne3A = arith.cmpi ne, %sign3A_8, %sign3A_15 : i32
    %rem3A = arith.remsi %mul3A_2, %jit3A : i32
    %ne3A_16 = arith.constant 0 : i32
    %ne3A_17 = arith.cmpi ne, %rem3A, %ne3A_16 : i32
    %and3A = arith.andi %ne3A, %ne3A_17 : i1
    %sub3A = arith.constant 1 : i32
    %sub3A_18 = arith.subi %div3A, %sub3A : i32
    %select_n3A = arith.select %and3A, %sub3A_18, %div3A : i32
    %dma_start3A = arith.constant 0 : i32
    %dma_start3A_19 = arith.constant 0 : i32
    %dma_start3A_20 = tpu.memref_slice %arg2[%select_n3A, %dma_start3A, %dma_start3A_19] : memref<16x64x128xf32, #tpu.memory_space<hbm>> -> memref<1x64x128xf32, #tpu.memory_space<hbm>>
    %dma_start3A_21 = tpu.memref_squeeze %dma_start3A_20 : memref<1x64x128xf32, #tpu.memory_space<hbm>> -> memref<64x128xf32, #tpu.memory_space<hbm>>
    %dma_start3A_22 = arith.constant 0 : i32
    %dma_start3A_23 = arith.constant 0 : i32
    %dma_start3A_24 = tpu.memref_slice %arg2[%select_n3A, %dma_start3A_22, %dma_start3A_23] : memref<16x64x128xf32, #tpu.memory_space<hbm>> -> memref<1x64x128xf32, #tpu.memory_space<hbm>>
    %dma_start3A_25 = tpu.memref_squeeze %dma_start3A_24 : memref<1x64x128xf32, #tpu.memory_space<hbm>> -> memref<64x128xf32, #tpu.memory_space<hbm>>
    tpu.enqueue_dma source(%dma_start3A_25 : memref<64x128xf32, #tpu.memory_space<hbm>>) target(%arg6 : memref<64x128xf32, #tpu.memory_space<vmem>>) target_semaphore(%arg10 : memref<!tpu.dma_semaphore, #tpu.memory_space<semaphore_mem>>)
    %dma_start3A_26 = arith.constant 0 : i32
    %dma_start3A_27 = tpu.memref_slice %arg3[%mul3A_2, %dma_start3A_26] : memref<2048x200xi32, #tpu.memory_space<hbm>> -> memref<64x200xi32, #tpu.memory_space<hbm>>
    %dma_start3A_28 = arith.constant 0 : i32
    %dma_start3A_29 = tpu.memref_slice %arg3[%mul3A_2, %dma_start3A_28] : memref<2048x200xi32, #tpu.memory_space<hbm>> -> memref<64x200xi32, #tpu.memory_space<hbm>>
    tpu.enqueue_dma source(%dma_start3A_29 : memref<64x200xi32, #tpu.memory_space<hbm>>) target(%arg7 : memref<64x200xi32, #tpu.memory_space<vmem>>) target_semaphore(%arg10 : memref<!tpu.dma_semaphore, #tpu.memory_space<semaphore_mem>>)
    %dma_wait3A = arith.constant 0 : i32
    %dma_wait3A_30 = arith.constant 0 : i32
    %dma_wait3A_31 = tpu.memref_slice %arg2[%select_n3A, %dma_wait3A, %dma_wait3A_30] : memref<16x64x128xf32, #tpu.memory_space<hbm>> -> memref<1x64x128xf32, #tpu.memory_space<hbm>>
    %dma_wait3A_32 = tpu.memref_squeeze %dma_wait3A_31 : memref<1x64x128xf32, #tpu.memory_space<hbm>> -> memref<64x128xf32, #tpu.memory_space<hbm>>
    %dma_wait3A_33 = arith.constant 0 : i32
    %dma_wait3A_34 = arith.constant 0 : i32
    %dma_wait3A_35 = tpu.memref_slice %arg2[%select_n3A, %dma_wait3A_33, %dma_wait3A_34] : memref<16x64x128xf32, #tpu.memory_space<hbm>> -> memref<1x64x128xf32, #tpu.memory_space<hbm>>
    %dma_wait3A_36 = tpu.memref_squeeze %dma_wait3A_35 : memref<1x64x128xf32, #tpu.memory_space<hbm>> -> memref<64x128xf32, #tpu.memory_space<hbm>>
    tpu.wait_dma2 semaphore(%arg10 : memref<!tpu.dma_semaphore, #tpu.memory_space<semaphore_mem>>) src(%dma_wait3A_36 : memref<64x128xf32, #tpu.memory_space<hbm>>) dst(%arg6 : memref<64x128xf32, #tpu.memory_space<vmem>>)
    %dma_wait3A_37 = arith.constant 0 : i32
    %dma_wait3A_38 = tpu.memref_slice %arg3[%mul3A_2, %dma_wait3A_37] : memref<2048x200xi32, #tpu.memory_space<hbm>> -> memref<64x200xi32, #tpu.memory_space<hbm>>
    %dma_wait3A_39 = arith.constant 0 : i32
    %dma_wait3A_40 = tpu.memref_slice %arg3[%mul3A_2, %dma_wait3A_39] : memref<2048x200xi32, #tpu.memory_space<hbm>> -> memref<64x200xi32, #tpu.memory_space<hbm>>
    tpu.wait_dma2 semaphore(%arg10 : memref<!tpu.dma_semaphore, #tpu.memory_space<semaphore_mem>>) src(%dma_wait3A_40 : memref<64x200xi32, #tpu.memory_space<hbm>>) dst(%arg7 : memref<64x200xi32, #tpu.memory_space<vmem>>)
    %iota3A = tpu.iota {dimensions = array<i32: 0>} : vector<16xi32>
    %ge3A = arith.constant 8 : i32
    %ge3A_41 = vector.broadcast %ge3A : i32 to vector<16xi32>
    %ge3A_42 = arith.cmpi sge, %iota3A, %ge3A_41 : vector<16xi32>
    %eq3A = arith.constant 0 : i32
    %eq3A_43 = vector.broadcast %eq3A : i32 to vector<16xi32>
    %eq3A_44 = arith.cmpi eq, %iota3A, %eq3A_43 : vector<16xi32>
    %scan3A = arith.constant 0 : i32
    %scan3A_45 = arith.constant 0 : i32
    %scan3A_46 = arith.constant 32 : i32
    %scan3A_47 = arith.addi %scan3A_45, %scan3A_46 : i32
    %scan3A_48 = arith.constant 1 : i32
    scf.for %scan3A_85 = %scan3A_45 to %scan3A_47 step %scan3A_48  : i32 {
      %mul3A_86 = arith.constant 2 : i32
      %mul3A_87 = arith.muli %scan3A_85, %mul3A_86 : i32
      %broadcast_in_dim3A_88 = arith.constant 0.000000e+00 : f32
      %broadcast_in_dim3A_89 = vector.broadcast %broadcast_in_dim3A_88 : f32 to vector<16xf32>
      %get3A = arith.index_cast %mul3A_87 : i32 to index
      %get3A_90 = arith.constant 0 : index
      %get3A_91 = tpu.vector_load %arg7[%get3A, %get3A_90] {strides = array<i32>} : memref<64x200xi32, #tpu.memory_space<vmem>>, vector<16xi32>,
      %and3A_92 = arith.constant 65535 : i32
      %and3A_93 = vector.broadcast %and3A_92 : i32 to vector<16xi32>
      %and3A_94 = arith.andi %get3A_91, %and3A_93 : vector<16xi32>
      %shift_right_logical3A = arith.constant 16 : i32
      %shift_right_logical3A_95 = vector.broadcast %shift_right_logical3A : i32 to vector<16xi32>
      %shift_right_logical3A_96 = arith.shrui %get3A_91, %shift_right_logical3A_95 : vector<16xi32>
      %gather3A = tpu.vector_load_idx %arg6[%and3A_94, %shift_right_logical3A_96] : memref<64x128xf32, #tpu.memory_space<vmem>>[vector<16xi32>, vector<16xi32>], vector<16xf32>,
      %add3A_97 = arith.addf %broadcast_in_dim3A_89, %gather3A : vector<16xf32>
      %get3A_98 = arith.index_cast %mul3A_87 : i32 to index
      %get3A_99 = arith.constant 16 : index
      %get3A_100 = tpu.vector_load %arg7[%get3A_98, %get3A_99] {strides = array<i32>} : memref<64x200xi32, #tpu.memory_space<vmem>>, vector<16xi32>,
      %and3A_101 = arith.constant 65535 : i32
      %and3A_102 = vector.broadcast %and3A_101 : i32 to vector<16xi32>
      %and3A_103 = arith.andi %get3A_100, %and3A_102 : vector<16xi32>
      %shift_right_logical3A_104 = arith.constant 16 : i32
      %shift_right_logical3A_105 = vector.broadcast %shift_right_logical3A_104 : i32 to vector<16xi32>
      %shift_right_logical3A_106 = arith.shrui %get3A_100, %shift_right_logical3A_105 : vector<16xi32>
      %gather3A_107 = tpu.vector_load_idx %arg6[%and3A_103, %shift_right_logical3A_106] : memref<64x128xf32, #tpu.memory_space<vmem>>[vector<16xi32>, vector<16xi32>], vector<16xf32>,
      %add3A_108 = arith.addf %add3A_97, %gather3A_107 : vector<16xf32>
      %get3A_109 = arith.index_cast %mul3A_87 : i32 to index
      %get3A_110 = arith.constant 32 : index
      %get3A_111 = tpu.vector_load %arg7[%get3A_109, %get3A_110] {strides = array<i32>} : memref<64x200xi32, #tpu.memory_space<vmem>>, vector<16xi32>,
      %and3A_112 = arith.constant 65535 : i32
      %and3A_113 = vector.broadcast %and3A_112 : i32 to vector<16xi32>
      %and3A_114 = arith.andi %get3A_111, %and3A_113 : vector<16xi32>
      %shift_right_logical3A_115 = arith.constant 16 : i32
      %shift_right_logical3A_116 = vector.broadcast %shift_right_logical3A_115 : i32 to vector<16xi32>
      %shift_right_logical3A_117 = arith.shrui %get3A_111, %shift_right_logical3A_116 : vector<16xi32>
      %gather3A_118 = tpu.vector_load_idx %arg6[%and3A_114, %shift_right_logical3A_117] : memref<64x128xf32, #tpu.memory_space<vmem>>[vector<16xi32>, vector<16xi32>], vector<16xf32>,
      %add3A_119 = arith.addf %add3A_108, %gather3A_118 : vector<16xf32>
      %get3A_120 = arith.index_cast %mul3A_87 : i32 to index
      %get3A_121 = arith.constant 48 : index
      %get3A_122 = tpu.vector_load %arg7[%get3A_120, %get3A_121] {strides = array<i32>} : memref<64x200xi32, #tpu.memory_space<vmem>>, vector<16xi32>,
      %and3A_123 = arith.constant 65535 : i32
      %and3A_124 = vector.broadcast %and3A_123 : i32 to vector<16xi32>
      %and3A_125 = arith.andi %get3A_122, %and3A_124 : vector<16xi32>
      %shift_right_logical3A_126 = arith.constant 16 : i32
      %shift_right_logical3A_127 = vector.broadcast %shift_right_logical3A_126 : i32 to vector<16xi32>
      %shift_right_logical3A_128 = arith.shrui %get3A_122, %shift_right_logical3A_127 : vector<16xi32>
      %gather3A_129 = tpu.vector_load_idx %arg6[%and3A_125, %shift_right_logical3A_128] : memref<64x128xf32, #tpu.memory_space<vmem>>[vector<16xi32>, vector<16xi32>], vector<16xf32>,
      %add3A_130 = arith.addf %add3A_119, %gather3A_129 : vector<16xf32>
      %get3A_131 = arith.index_cast %mul3A_87 : i32 to index
      %get3A_132 = arith.constant 64 : index
      %get3A_133 = tpu.vector_load %arg7[%get3A_131, %get3A_132] {strides = array<i32>} : memref<64x200xi32, #tpu.memory_space<vmem>>, vector<16xi32>,
      %and3A_134 = arith.constant 65535 : i32
      %and3A_135 = vector.broadcast %and3A_134 : i32 to vector<16xi32>
      %and3A_136 = arith.andi %get3A_133, %and3A_135 : vector<16xi32>
      %shift_right_logical3A_137 = arith.constant 16 : i32
      %shift_right_logical3A_138 = vector.broadcast %shift_right_logical3A_137 : i32 to vector<16xi32>
      %shift_right_logical3A_139 = arith.shrui %get3A_133, %shift_right_logical3A_138 : vector<16xi32>
      %gather3A_140 = tpu.vector_load_idx %arg6[%and3A_136, %shift_right_logical3A_139] : memref<64x128xf32, #tpu.memory_space<vmem>>[vector<16xi32>, vector<16xi32>], vector<16xf32>,
      %add3A_141 = arith.addf %add3A_130, %gather3A_140 : vector<16xf32>
      %get3A_142 = arith.index_cast %mul3A_87 : i32 to index
      %get3A_143 = arith.constant 80 : index
      %get3A_144 = tpu.vector_load %arg7[%get3A_142, %get3A_143] {strides = array<i32>} : memref<64x200xi32, #tpu.memory_space<vmem>>, vector<16xi32>,
      %and3A_145 = arith.constant 65535 : i32
      %and3A_146 = vector.broadcast %and3A_145 : i32 to vector<16xi32>
      %and3A_147 = arith.andi %get3A_144, %and3A_146 : vector<16xi32>
      %shift_right_logical3A_148 = arith.constant 16 : i32
      %shift_right_logical3A_149 = vector.broadcast %shift_right_logical3A_148 : i32 to vector<16xi32>
      %shift_right_logical3A_150 = arith.shrui %get3A_144, %shift_right_logical3A_149 : vector<16xi32>
      %gather3A_151 = tpu.vector_load_idx %arg6[%and3A_147, %shift_right_logical3A_150] : memref<64x128xf32, #tpu.memory_space<vmem>>[vector<16xi32>, vector<16xi32>], vector<16xf32>,
      %add3A_152 = arith.addf %add3A_141, %gather3A_151 : vector<16xf32>
      %get3A_153 = arith.index_cast %mul3A_87 : i32 to index
      %get3A_154 = arith.constant 96 : index
      %get3A_155 = tpu.vector_load %arg7[%get3A_153, %get3A_154] {strides = array<i32>} : memref<64x200xi32, #tpu.memory_space<vmem>>, vector<16xi32>,
      %and3A_156 = arith.constant 65535 : i32
      %and3A_157 = vector.broadcast %and3A_156 : i32 to vector<16xi32>
      %and3A_158 = arith.andi %get3A_155, %and3A_157 : vector<16xi32>
      %shift_right_logical3A_159 = arith.constant 16 : i32
      %shift_right_logical3A_160 = vector.broadcast %shift_right_logical3A_159 : i32 to vector<16xi32>
      %shift_right_logical3A_161 = arith.shrui %get3A_155, %shift_right_logical3A_160 : vector<16xi32>
      %gather3A_162 = tpu.vector_load_idx %arg6[%and3A_158, %shift_right_logical3A_161] : memref<64x128xf32, #tpu.memory_space<vmem>>[vector<16xi32>, vector<16xi32>], vector<16xf32>,
      %add3A_163 = arith.addf %add3A_152, %gather3A_162 : vector<16xf32>
      %get3A_164 = arith.index_cast %mul3A_87 : i32 to index
      %get3A_165 = arith.constant 112 : index
      %get3A_166 = tpu.vector_load %arg7[%get3A_164, %get3A_165] {strides = array<i32>} : memref<64x200xi32, #tpu.memory_space<vmem>>, vector<16xi32>,
      %and3A_167 = arith.constant 65535 : i32
      %and3A_168 = vector.broadcast %and3A_167 : i32 to vector<16xi32>
      %and3A_169 = arith.andi %get3A_166, %and3A_168 : vector<16xi32>
      %shift_right_logical3A_170 = arith.constant 16 : i32
      %shift_right_logical3A_171 = vector.broadcast %shift_right_logical3A_170 : i32 to vector<16xi32>
      %shift_right_logical3A_172 = arith.shrui %get3A_166, %shift_right_logical3A_171 : vector<16xi32>
      %gather3A_173 = tpu.vector_load_idx %arg6[%and3A_169, %shift_right_logical3A_172] : memref<64x128xf32, #tpu.memory_space<vmem>>[vector<16xi32>, vector<16xi32>], vector<16xf32>,
      %add3A_174 = arith.addf %add3A_163, %gather3A_173 : vector<16xf32>
      %get3A_175 = arith.index_cast %mul3A_87 : i32 to index
      %get3A_176 = arith.constant 128 : index
      %get3A_177 = tpu.vector_load %arg7[%get3A_175, %get3A_176] {strides = array<i32>} : memref<64x200xi32, #tpu.memory_space<vmem>>, vector<16xi32>,
      %and3A_178 = arith.constant 65535 : i32
      %and3A_179 = vector.broadcast %and3A_178 : i32 to vector<16xi32>
      %and3A_180 = arith.andi %get3A_177, %and3A_179 : vector<16xi32>
      %shift_right_logical3A_181 = arith.constant 16 : i32
      %shift_right_logical3A_182 = vector.broadcast %shift_right_logical3A_181 : i32 to vector<16xi32>
      %shift_right_logical3A_183 = arith.shrui %get3A_177, %shift_right_logical3A_182 : vector<16xi32>
      %gather3A_184 = tpu.vector_load_idx %arg6[%and3A_180, %shift_right_logical3A_183] : memref<64x128xf32, #tpu.memory_space<vmem>>[vector<16xi32>, vector<16xi32>], vector<16xf32>,
      %add3A_185 = arith.addf %add3A_174, %gather3A_184 : vector<16xf32>
      %get3A_186 = arith.index_cast %mul3A_87 : i32 to index
      %get3A_187 = arith.constant 144 : index
      %get3A_188 = tpu.vector_load %arg7[%get3A_186, %get3A_187] {strides = array<i32>} : memref<64x200xi32, #tpu.memory_space<vmem>>, vector<16xi32>,
      %and3A_189 = arith.constant 65535 : i32
      %and3A_190 = vector.broadcast %and3A_189 : i32 to vector<16xi32>
      %and3A_191 = arith.andi %get3A_188, %and3A_190 : vector<16xi32>
      %shift_right_logical3A_192 = arith.constant 16 : i32
      %shift_right_logical3A_193 = vector.broadcast %shift_right_logical3A_192 : i32 to vector<16xi32>
      %shift_right_logical3A_194 = arith.shrui %get3A_188, %shift_right_logical3A_193 : vector<16xi32>
      %gather3A_195 = tpu.vector_load_idx %arg6[%and3A_191, %shift_right_logical3A_194] : memref<64x128xf32, #tpu.memory_space<vmem>>[vector<16xi32>, vector<16xi32>], vector<16xf32>,
      %add3A_196 = arith.addf %add3A_185, %gather3A_195 : vector<16xf32>
      %get3A_197 = arith.index_cast %mul3A_87 : i32 to index
      %get3A_198 = arith.constant 160 : index
      %get3A_199 = tpu.vector_load %arg7[%get3A_197, %get3A_198] {strides = array<i32>} : memref<64x200xi32, #tpu.memory_space<vmem>>, vector<16xi32>,
      %and3A_200 = arith.constant 65535 : i32
      %and3A_201 = vector.broadcast %and3A_200 : i32 to vector<16xi32>
      %and3A_202 = arith.andi %get3A_199, %and3A_201 : vector<16xi32>
      %shift_right_logical3A_203 = arith.constant 16 : i32
      %shift_right_logical3A_204 = vector.broadcast %shift_right_logical3A_203 : i32 to vector<16xi32>
      %shift_right_logical3A_205 = arith.shrui %get3A_199, %shift_right_logical3A_204 : vector<16xi32>
      %gather3A_206 = tpu.vector_load_idx %arg6[%and3A_202, %shift_right_logical3A_205] : memref<64x128xf32, #tpu.memory_space<vmem>>[vector<16xi32>, vector<16xi32>], vector<16xf32>,
      %add3A_207 = arith.addf %add3A_196, %gather3A_206 : vector<16xf32>
      %get3A_208 = arith.index_cast %mul3A_87 : i32 to index
      %get3A_209 = arith.constant 176 : index
      %get3A_210 = tpu.vector_load %arg7[%get3A_208, %get3A_209] {strides = array<i32>} : memref<64x200xi32, #tpu.memory_space<vmem>>, vector<16xi32>,
      %and3A_211 = arith.constant 65535 : i32
      %and3A_212 = vector.broadcast %and3A_211 : i32 to vector<16xi32>
      %and3A_213 = arith.andi %get3A_210, %and3A_212 : vector<16xi32>
      %shift_right_logical3A_214 = arith.constant 16 : i32
      %shift_right_logical3A_215 = vector.broadcast %shift_right_logical3A_214 : i32 to vector<16xi32>
      %shift_right_logical3A_216 = arith.shrui %get3A_210, %shift_right_logical3A_215 : vector<16xi32>
      %gather3A_217 = tpu.vector_load_idx %arg6[%and3A_213, %shift_right_logical3A_216] : memref<64x128xf32, #tpu.memory_space<vmem>>[vector<16xi32>, vector<16xi32>], vector<16xf32>,
      %add3A_218 = arith.addf %add3A_207, %gather3A_217 : vector<16xf32>
      %get3A_219 = arith.index_cast %mul3A_87 : i32 to index
      %get3A_220 = arith.constant 184 : index
      %get3A_221 = tpu.vector_load %arg7[%get3A_219, %get3A_220] {strides = array<i32>} : memref<64x200xi32, #tpu.memory_space<vmem>>, vector<16xi32>,
      %and3A_222 = arith.constant 65535 : i32
      %and3A_223 = vector.broadcast %and3A_222 : i32 to vector<16xi32>
      %and3A_224 = arith.andi %get3A_221, %and3A_223 : vector<16xi32>
      %shift_right_logical3A_225 = arith.constant 16 : i32
      %shift_right_logical3A_226 = vector.broadcast %shift_right_logical3A_225 : i32 to vector<16xi32>
      %shift_right_logical3A_227 = arith.shrui %get3A_221, %shift_right_logical3A_226 : vector<16xi32>
      %gather3A_228 = tpu.vector_load_idx %arg6[%and3A_224, %shift_right_logical3A_227] : memref<64x128xf32, #tpu.memory_space<vmem>>[vector<16xi32>, vector<16xi32>], vector<16xf32>,
      %jit3A_229 = arith.constant 0.000000e+00 : f32
      %broadcast_in_dim3A_230 = vector.broadcast %jit3A_229 : f32 to vector<16xf32>
      %select_n3A_231 = arith.select %ge3A_42, %gather3A_228, %broadcast_in_dim3A_230 : vector<16xi1>, vector<16xf32>
      %add3A_232 = arith.addf %add3A_218, %select_n3A_231 : vector<16xf32>
      %reduce_sum3A_233 = arith.constant true
      %reduce_sum3A_234 = vector.broadcast %reduce_sum3A_233 : i1 to vector<16xi1>
      %reduce_sum3A_235 = tpu.scan <sum>, %add3A_232 masked %reduce_sum3A_234 : vector<16xf32>, vector<16xi1> -> vector<16xf32>
      %reduce_sum3A_236 = vector.extract %reduce_sum3A_235[15] : f32 from vector<16xf32>
      %add3A_237 = arith.constant 1 : i32
      %add3A_238 = arith.addi %mul3A_87, %add3A_237 : i32
      %broadcast_in_dim3A_239 = arith.constant 0.000000e+00 : f32
      %broadcast_in_dim3A_240 = vector.broadcast %broadcast_in_dim3A_239 : f32 to vector<16xf32>
      %get3A_241 = arith.index_cast %add3A_238 : i32 to index
      %get3A_242 = arith.constant 0 : index
      %get3A_243 = tpu.vector_load %arg7[%get3A_241, %get3A_242] {strides = array<i32>} : memref<64x200xi32, #tpu.memory_space<vmem>>, vector<16xi32>,
      %and3A_244 = arith.constant 65535 : i32
      %and3A_245 = vector.broadcast %and3A_244 : i32 to vector<16xi32>
      %and3A_246 = arith.andi %get3A_243, %and3A_245 : vector<16xi32>
      %shift_right_logical3A_247 = arith.constant 16 : i32
      %shift_right_logical3A_248 = vector.broadcast %shift_right_logical3A_247 : i32 to vector<16xi32>
      %shift_right_logical3A_249 = arith.shrui %get3A_243, %shift_right_logical3A_248 : vector<16xi32>
      %gather3A_250 = tpu.vector_load_idx %arg6[%and3A_246, %shift_right_logical3A_249] : memref<64x128xf32, #tpu.memory_space<vmem>>[vector<16xi32>, vector<16xi32>], vector<16xf32>,
      %add3A_251 = arith.addf %broadcast_in_dim3A_240, %gather3A_250 : vector<16xf32>
      %get3A_252 = arith.index_cast %add3A_238 : i32 to index
      %get3A_253 = arith.constant 16 : index
      %get3A_254 = tpu.vector_load %arg7[%get3A_252, %get3A_253] {strides = array<i32>} : memref<64x200xi32, #tpu.memory_space<vmem>>, vector<16xi32>,
      %and3A_255 = arith.constant 65535 : i32
      %and3A_256 = vector.broadcast %and3A_255 : i32 to vector<16xi32>
      %and3A_257 = arith.andi %get3A_254, %and3A_256 : vector<16xi32>
      %shift_right_logical3A_258 = arith.constant 16 : i32
      %shift_right_logical3A_259 = vector.broadcast %shift_right_logical3A_258 : i32 to vector<16xi32>
      %shift_right_logical3A_260 = arith.shrui %get3A_254, %shift_right_logical3A_259 : vector<16xi32>
      %gather3A_261 = tpu.vector_load_idx %arg6[%and3A_257, %shift_right_logical3A_260] : memref<64x128xf32, #tpu.memory_space<vmem>>[vector<16xi32>, vector<16xi32>], vector<16xf32>,
      %add3A_262 = arith.addf %add3A_251, %gather3A_261 : vector<16xf32>
      %get3A_263 = arith.index_cast %add3A_238 : i32 to index
      %get3A_264 = arith.constant 32 : index
      %get3A_265 = tpu.vector_load %arg7[%get3A_263, %get3A_264] {strides = array<i32>} : memref<64x200xi32, #tpu.memory_space<vmem>>, vector<16xi32>,
      %and3A_266 = arith.constant 65535 : i32
      %and3A_267 = vector.broadcast %and3A_266 : i32 to vector<16xi32>
      %and3A_268 = arith.andi %get3A_265, %and3A_267 : vector<16xi32>
      %shift_right_logical3A_269 = arith.constant 16 : i32
      %shift_right_logical3A_270 = vector.broadcast %shift_right_logical3A_269 : i32 to vector<16xi32>
      %shift_right_logical3A_271 = arith.shrui %get3A_265, %shift_right_logical3A_270 : vector<16xi32>
      %gather3A_272 = tpu.vector_load_idx %arg6[%and3A_268, %shift_right_logical3A_271] : memref<64x128xf32, #tpu.memory_space<vmem>>[vector<16xi32>, vector<16xi32>], vector<16xf32>,
      %add3A_273 = arith.addf %add3A_262, %gather3A_272 : vector<16xf32>
      %get3A_274 = arith.index_cast %add3A_238 : i32 to index
      %get3A_275 = arith.constant 48 : index
      %get3A_276 = tpu.vector_load %arg7[%get3A_274, %get3A_275] {strides = array<i32>} : memref<64x200xi32, #tpu.memory_space<vmem>>, vector<16xi32>,
      %and3A_277 = arith.constant 65535 : i32
      %and3A_278 = vector.broadcast %and3A_277 : i32 to vector<16xi32>
      %and3A_279 = arith.andi %get3A_276, %and3A_278 : vector<16xi32>
      %shift_right_logical3A_280 = arith.constant 16 : i32
      %shift_right_logical3A_281 = vector.broadcast %shift_right_logical3A_280 : i32 to vector<16xi32>
      %shift_right_logical3A_282 = arith.shrui %get3A_276, %shift_right_logical3A_281 : vector<16xi32>
      %gather3A_283 = tpu.vector_load_idx %arg6[%and3A_279, %shift_right_logical3A_282] : memref<64x128xf32, #tpu.memory_space<vmem>>[vector<16xi32>, vector<16xi32>], vector<16xf32>,
      %add3A_284 = arith.addf %add3A_273, %gather3A_283 : vector<16xf32>
      %get3A_285 = arith.index_cast %add3A_238 : i32 to index
      %get3A_286 = arith.constant 64 : index
      %get3A_287 = tpu.vector_load %arg7[%get3A_285, %get3A_286] {strides = array<i32>} : memref<64x200xi32, #tpu.memory_space<vmem>>, vector<16xi32>,
      %and3A_288 = arith.constant 65535 : i32
      %and3A_289 = vector.broadcast %and3A_288 : i32 to vector<16xi32>
      %and3A_290 = arith.andi %get3A_287, %and3A_289 : vector<16xi32>
      %shift_right_logical3A_291 = arith.constant 16 : i32
      %shift_right_logical3A_292 = vector.broadcast %shift_right_logical3A_291 : i32 to vector<16xi32>
      %shift_right_logical3A_293 = arith.shrui %get3A_287, %shift_right_logical3A_292 : vector<16xi32>
      %gather3A_294 = tpu.vector_load_idx %arg6[%and3A_290, %shift_right_logical3A_293] : memref<64x128xf32, #tpu.memory_space<vmem>>[vector<16xi32>, vector<16xi32>], vector<16xf32>,
      %add3A_295 = arith.addf %add3A_284, %gather3A_294 : vector<16xf32>
      %get3A_296 = arith.index_cast %add3A_238 : i32 to index
      %get3A_297 = arith.constant 80 : index
      %get3A_298 = tpu.vector_load %arg7[%get3A_296, %get3A_297] {strides = array<i32>} : memref<64x200xi32, #tpu.memory_space<vmem>>, vector<16xi32>,
      %and3A_299 = arith.constant 65535 : i32
      %and3A_300 = vector.broadcast %and3A_299 : i32 to vector<16xi32>
      %and3A_301 = arith.andi %get3A_298, %and3A_300 : vector<16xi32>
      %shift_right_logical3A_302 = arith.constant 16 : i32
      %shift_right_logical3A_303 = vector.broadcast %shift_right_logical3A_302 : i32 to vector<16xi32>
      %shift_right_logical3A_304 = arith.shrui %get3A_298, %shift_right_logical3A_303 : vector<16xi32>
      %gather3A_305 = tpu.vector_load_idx %arg6[%and3A_301, %shift_right_logical3A_304] : memref<64x128xf32, #tpu.memory_space<vmem>>[vector<16xi32>, vector<16xi32>], vector<16xf32>,
      %add3A_306 = arith.addf %add3A_295, %gather3A_305 : vector<16xf32>
      %get3A_307 = arith.index_cast %add3A_238 : i32 to index
      %get3A_308 = arith.constant 96 : index
      %get3A_309 = tpu.vector_load %arg7[%get3A_307, %get3A_308] {strides = array<i32>} : memref<64x200xi32, #tpu.memory_space<vmem>>, vector<16xi32>,
      %and3A_310 = arith.constant 65535 : i32
      %and3A_311 = vector.broadcast %and3A_310 : i32 to vector<16xi32>
      %and3A_312 = arith.andi %get3A_309, %and3A_311 : vector<16xi32>
      %shift_right_logical3A_313 = arith.constant 16 : i32
      %shift_right_logical3A_314 = vector.broadcast %shift_right_logical3A_313 : i32 to vector<16xi32>
      %shift_right_logical3A_315 = arith.shrui %get3A_309, %shift_right_logical3A_314 : vector<16xi32>
      %gather3A_316 = tpu.vector_load_idx %arg6[%and3A_312, %shift_right_logical3A_315] : memref<64x128xf32, #tpu.memory_space<vmem>>[vector<16xi32>, vector<16xi32>], vector<16xf32>,
      %add3A_317 = arith.addf %add3A_306, %gather3A_316 : vector<16xf32>
      %get3A_318 = arith.index_cast %add3A_238 : i32 to index
      %get3A_319 = arith.constant 112 : index
      %get3A_320 = tpu.vector_load %arg7[%get3A_318, %get3A_319] {strides = array<i32>} : memref<64x200xi32, #tpu.memory_space<vmem>>, vector<16xi32>,
      %and3A_321 = arith.constant 65535 : i32
      %and3A_322 = vector.broadcast %and3A_321 : i32 to vector<16xi32>
      %and3A_323 = arith.andi %get3A_320, %and3A_322 : vector<16xi32>
      %shift_right_logical3A_324 = arith.constant 16 : i32
      %shift_right_logical3A_325 = vector.broadcast %shift_right_logical3A_324 : i32 to vector<16xi32>
      %shift_right_logical3A_326 = arith.shrui %get3A_320, %shift_right_logical3A_325 : vector<16xi32>
      %gather3A_327 = tpu.vector_load_idx %arg6[%and3A_323, %shift_right_logical3A_326] : memref<64x128xf32, #tpu.memory_space<vmem>>[vector<16xi32>, vector<16xi32>], vector<16xf32>,
      %add3A_328 = arith.addf %add3A_317, %gather3A_327 : vector<16xf32>
      %get3A_329 = arith.index_cast %add3A_238 : i32 to index
      %get3A_330 = arith.constant 128 : index
      %get3A_331 = tpu.vector_load %arg7[%get3A_329, %get3A_330] {strides = array<i32>} : memref<64x200xi32, #tpu.memory_space<vmem>>, vector<16xi32>,
      %and3A_332 = arith.constant 65535 : i32
      %and3A_333 = vector.broadcast %and3A_332 : i32 to vector<16xi32>
      %and3A_334 = arith.andi %get3A_331, %and3A_333 : vector<16xi32>
      %shift_right_logical3A_335 = arith.constant 16 : i32
      %shift_right_logical3A_336 = vector.broadcast %shift_right_logical3A_335 : i32 to vector<16xi32>
      %shift_right_logical3A_337 = arith.shrui %get3A_331, %shift_right_logical3A_336 : vector<16xi32>
      %gather3A_338 = tpu.vector_load_idx %arg6[%and3A_334, %shift_right_logical3A_337] : memref<64x128xf32, #tpu.memory_space<vmem>>[vector<16xi32>, vector<16xi32>], vector<16xf32>,
      %add3A_339 = arith.addf %add3A_328, %gather3A_338 : vector<16xf32>
      %get3A_340 = arith.index_cast %add3A_238 : i32 to index
      %get3A_341 = arith.constant 144 : index
      %get3A_342 = tpu.vector_load %arg7[%get3A_340, %get3A_341] {strides = array<i32>} : memref<64x200xi32, #tpu.memory_space<vmem>>, vector<16xi32>,
      %and3A_343 = arith.constant 65535 : i32
      %and3A_344 = vector.broadcast %and3A_343 : i32 to vector<16xi32>
      %and3A_345 = arith.andi %get3A_342, %and3A_344 : vector<16xi32>
      %shift_right_logical3A_346 = arith.constant 16 : i32
      %shift_right_logical3A_347 = vector.broadcast %shift_right_logical3A_346 : i32 to vector<16xi32>
      %shift_right_logical3A_348 = arith.shrui %get3A_342, %shift_right_logical3A_347 : vector<16xi32>
      %gather3A_349 = tpu.vector_load_idx %arg6[%and3A_345, %shift_right_logical3A_348] : memref<64x128xf32, #tpu.memory_space<vmem>>[vector<16xi32>, vector<16xi32>], vector<16xf32>,
      %add3A_350 = arith.addf %add3A_339, %gather3A_349 : vector<16xf32>
      %get3A_351 = arith.index_cast %add3A_238 : i32 to index
      %get3A_352 = arith.constant 160 : index
      %get3A_353 = tpu.vector_load %arg7[%get3A_351, %get3A_352] {strides = array<i32>} : memref<64x200xi32, #tpu.memory_space<vmem>>, vector<16xi32>,
      %and3A_354 = arith.constant 65535 : i32
      %and3A_355 = vector.broadcast %and3A_354 : i32 to vector<16xi32>
      %and3A_356 = arith.andi %get3A_353, %and3A_355 : vector<16xi32>
      %shift_right_logical3A_357 = arith.constant 16 : i32
      %shift_right_logical3A_358 = vector.broadcast %shift_right_logical3A_357 : i32 to vector<16xi32>
      %shift_right_logical3A_359 = arith.shrui %get3A_353, %shift_right_logical3A_358 : vector<16xi32>
      %gather3A_360 = tpu.vector_load_idx %arg6[%and3A_356, %shift_right_logical3A_359] : memref<64x128xf32, #tpu.memory_space<vmem>>[vector<16xi32>, vector<16xi32>], vector<16xf32>,
      %add3A_361 = arith.addf %add3A_350, %gather3A_360 : vector<16xf32>
      %get3A_362 = arith.index_cast %add3A_238 : i32 to index
      %get3A_363 = arith.constant 176 : index
      %get3A_364 = tpu.vector_load %arg7[%get3A_362, %get3A_363] {strides = array<i32>} : memref<64x200xi32, #tpu.memory_space<vmem>>, vector<16xi32>,
      %and3A_365 = arith.constant 65535 : i32
      %and3A_366 = vector.broadcast %and3A_365 : i32 to vector<16xi32>
      %and3A_367 = arith.andi %get3A_364, %and3A_366 : vector<16xi32>
      %shift_right_logical3A_368 = arith.constant 16 : i32
      %shift_right_logical3A_369 = vector.broadcast %shift_right_logical3A_368 : i32 to vector<16xi32>
      %shift_right_logical3A_370 = arith.shrui %get3A_364, %shift_right_logical3A_369 : vector<16xi32>
      %gather3A_371 = tpu.vector_load_idx %arg6[%and3A_367, %shift_right_logical3A_370] : memref<64x128xf32, #tpu.memory_space<vmem>>[vector<16xi32>, vector<16xi32>], vector<16xf32>,
      %add3A_372 = arith.addf %add3A_361, %gather3A_371 : vector<16xf32>
      %get3A_373 = arith.index_cast %add3A_238 : i32 to index
      %get3A_374 = arith.constant 184 : index
      %get3A_375 = tpu.vector_load %arg7[%get3A_373, %get3A_374] {strides = array<i32>} : memref<64x200xi32, #tpu.memory_space<vmem>>, vector<16xi32>,
      %and3A_376 = arith.constant 65535 : i32
      %and3A_377 = vector.broadcast %and3A_376 : i32 to vector<16xi32>
      %and3A_378 = arith.andi %get3A_375, %and3A_377 : vector<16xi32>
      %shift_right_logical3A_379 = arith.constant 16 : i32
      %shift_right_logical3A_380 = vector.broadcast %shift_right_logical3A_379 : i32 to vector<16xi32>
      %shift_right_logical3A_381 = arith.shrui %get3A_375, %shift_right_logical3A_380 : vector<16xi32>
      %gather3A_382 = tpu.vector_load_idx %arg6[%and3A_378, %shift_right_logical3A_381] : memref<64x128xf32, #tpu.memory_space<vmem>>[vector<16xi32>, vector<16xi32>], vector<16xf32>,
      %jit3A_383 = arith.constant 0.000000e+00 : f32
      %broadcast_in_dim3A_384 = vector.broadcast %jit3A_383 : f32 to vector<16xf32>
      %select_n3A_385 = arith.select %ge3A_42, %gather3A_382, %broadcast_in_dim3A_384 : vector<16xi1>, vector<16xf32>
      %add3A_386 = arith.addf %add3A_372, %select_n3A_385 : vector<16xf32>
      %reduce_sum3A_387 = arith.constant true
      %reduce_sum3A_388 = vector.broadcast %reduce_sum3A_387 : i1 to vector<16xi1>
      %reduce_sum3A_389 = tpu.scan <sum>, %add3A_386 masked %reduce_sum3A_388 : vector<16xf32>, vector<16xi1> -> vector<16xf32>
      %reduce_sum3A_390 = vector.extract %reduce_sum3A_389[15] : f32 from vector<16xf32>
      %broadcast_in_dim3A_391 = vector.broadcast %mul3A_87 : i32 to vector<16xi32>
      %broadcast_in_dim3A_392 = vector.broadcast %reduce_sum3A_236 : f32 to vector<16xf32>
      tpu.vector_store_idx %arg8[%broadcast_in_dim3A_391], %broadcast_in_dim3A_392 masked %eq3A_44 : memref<64xf32, #tpu.memory_space<vmem>>[vector<16xi32>], vector<16xf32>, vector<16xi1>
      %add3A_393 = arith.constant 1 : i32
      %add3A_394 = arith.addi %mul3A_87, %add3A_393 : i32
      %broadcast_in_dim3A_395 = vector.broadcast %add3A_394 : i32 to vector<16xi32>
      %broadcast_in_dim3A_396 = vector.broadcast %reduce_sum3A_390 : f32 to vector<16xf32>
      tpu.vector_store_idx %arg8[%broadcast_in_dim3A_395], %broadcast_in_dim3A_396 masked %eq3A_44 : memref<64xf32, #tpu.memory_space<vmem>>[vector<16xi32>], vector<16xf32>, vector<16xi1>
    }
    %scan3A_49 = arith.constant 32 : i32
    "tpu.region"() ({
      %run_scoped3A = tpu.sem_alloc : memref<!tpu.dma_semaphore, #tpu.memory_space<semaphore_mem>>
      %dma_start3A_85 = tpu.memref_slice %arg4[%mul3A_2] : memref<2048xf32, #tpu.memory_space<hbm>> -> memref<64xf32, #tpu.memory_space<hbm>>
      %dma_start3A_86 = tpu.memref_slice %arg4[%mul3A_2] : memref<2048xf32, #tpu.memory_space<hbm>> -> memref<64xf32, #tpu.memory_space<hbm>>
      tpu.enqueue_dma source(%arg8 : memref<64xf32, #tpu.memory_space<vmem>>) target(%dma_start3A_86 : memref<64xf32, #tpu.memory_space<hbm>>) target_semaphore(%run_scoped3A : memref<!tpu.dma_semaphore, #tpu.memory_space<semaphore_mem>>)
      %dma_wait3A_87 = tpu.memref_slice %arg4[%mul3A_2] : memref<2048xf32, #tpu.memory_space<hbm>> -> memref<64xf32, #tpu.memory_space<hbm>>
      %dma_wait3A_88 = tpu.memref_slice %arg4[%mul3A_2] : memref<2048xf32, #tpu.memory_space<hbm>> -> memref<64xf32, #tpu.memory_space<hbm>>
      tpu.wait_dma2 semaphore(%run_scoped3A : memref<!tpu.dma_semaphore, #tpu.memory_space<semaphore_mem>>) src(%arg8 : memref<64xf32, #tpu.memory_space<vmem>>) dst(%dma_wait3A_88 : memref<64xf32, #tpu.memory_space<hbm>>)
      tpu.yield
    }) : () -> ()
    %jit3A_50 = arith.constant 2 : i32
    %eq3A_51 = arith.constant 0 : i32
    %eq3A_52 = arith.cmpi eq, %jit3A_50, %eq3A_51 : i32
    %jit3A_53 = arith.constant 1 : i32
    %select_n3A_54 = arith.select %eq3A_52, %jit3A_53, %jit3A_50 : i32
    %rem3A_55 = arith.remsi %add3A, %select_n3A_54 : i32
    %ne3A_56 = arith.constant 0 : i32
    %ne3A_57 = arith.cmpi ne, %rem3A_55, %ne3A_56 : i32
    %lt3A = arith.constant 0 : i32
    %lt3A_58 = arith.cmpi slt, %rem3A_55, %lt3A : i32
    %lt3A_59 = arith.constant 0 : i32
    %lt3A_60 = arith.cmpi slt, %select_n3A_54, %lt3A_59 : i32
    %ne3A_61 = arith.xori %lt3A_58, %lt3A_60 : i1
    %and3A_62 = arith.andi %ne3A_61, %ne3A_57 : i1
    %add3A_63 = arith.addi %rem3A_55, %select_n3A_54 : i32
    %select_n3A_64 = arith.select %and3A_62, %add3A_63, %rem3A_55 : i32
    %mul3A_65 = arith.constant 4096 : i32
    %mul3A_66 = arith.muli %select_n3A_64, %mul3A_65 : i32
    %broadcast_in_dim3A = arith.constant 0.000000e+00 : f32
    %broadcast_in_dim3A_67 = vector.broadcast %broadcast_in_dim3A : f32 to vector<16xf32>
    %scan3A_68 = arith.constant 0 : i32
    %scan3A_69 = arith.constant 32 : i32
    %scan3A_70 = arith.addi %scan3A_68, %scan3A_69 : i32
    %scan3A_71 = arith.constant 1 : i32
    %scan3A_72 = scf.for %scan3A_85 = %scan3A_68 to %scan3A_70 step %scan3A_71 iter_args(%scan3A_86 = %broadcast_in_dim3A_67) -> (vector<16xf32>)  : i32 {
      %mul3A_87 = arith.constant 128 : i32
      %mul3A_88 = arith.muli %scan3A_85, %mul3A_87 : i32
      %add3A_89 = arith.addi %mul3A_66, %mul3A_88 : i32
      %jit3A_90 = arith.constant 128 : i32
      %div3A_91 = arith.divsi %add3A_89, %jit3A_90 : i32
      %sign3A_92 = arith.constant 0 : i32
      %sign3A_93 = arith.cmpi sgt, %add3A_89, %sign3A_92 : i32
      %sign3A_94 = arith.extui %sign3A_93 : i1 to i32
      %sign3A_95 = arith.constant 0 : i32
      %sign3A_96 = arith.cmpi slt, %add3A_89, %sign3A_95 : i32
      %sign3A_97 = arith.extui %sign3A_96 : i1 to i32
      %sign3A_98 = arith.subi %sign3A_94, %sign3A_97 : i32
      %sign3A_99 = arith.constant 0 : i32
      %sign3A_100 = arith.cmpi sgt, %jit3A_90, %sign3A_99 : i32
      %sign3A_101 = arith.extui %sign3A_100 : i1 to i32
      %sign3A_102 = arith.constant 0 : i32
      %sign3A_103 = arith.cmpi slt, %jit3A_90, %sign3A_102 : i32
      %sign3A_104 = arith.extui %sign3A_103 : i1 to i32
      %sign3A_105 = arith.subi %sign3A_101, %sign3A_104 : i32
      %ne3A_106 = arith.cmpi ne, %sign3A_98, %sign3A_105 : i32
      %rem3A_107 = arith.remsi %add3A_89, %jit3A_90 : i32
      %ne3A_108 = arith.constant 0 : i32
      %ne3A_109 = arith.cmpi ne, %rem3A_107, %ne3A_108 : i32
      %and3A_110 = arith.andi %ne3A_106, %ne3A_109 : i1
      %sub3A_111 = arith.constant 1 : i32
      %sub3A_112 = arith.subi %div3A_91, %sub3A_111 : i32
      %select_n3A_113 = arith.select %and3A_110, %sub3A_112, %div3A_91 : i32
      %broadcast_in_dim3A_114 = arith.constant 0.000000e+00 : f32
      %broadcast_in_dim3A_115 = vector.broadcast %broadcast_in_dim3A_114 : f32 to vector<16xf32>
      %add3A_116 = arith.constant 0 : i32
      %add3A_117 = arith.addi %select_n3A_113, %add3A_116 : i32
      %get3A = arith.index_cast %add3A_117 : i32 to index
      %get3A_118 = arith.constant 0 : index
      %get3A_119 = tpu.vector_load %arg6[%get3A, %get3A_118] {strides = array<i32>} : memref<64x128xf32, #tpu.memory_space<vmem>>, vector<16xf32>,
      %abs3A = math.absf %get3A_119 : vector<16xf32>
      %add3A_120 = arith.addf %broadcast_in_dim3A_115, %abs3A : vector<16xf32>
      %add3A_121 = arith.constant 0 : i32
      %add3A_122 = arith.addi %select_n3A_113, %add3A_121 : i32
      %get3A_123 = arith.index_cast %add3A_122 : i32 to index
      %get3A_124 = arith.constant 16 : index
      %get3A_125 = tpu.vector_load %arg6[%get3A_123, %get3A_124] {strides = array<i32>} : memref<64x128xf32, #tpu.memory_space<vmem>>, vector<16xf32>,
      %abs3A_126 = math.absf %get3A_125 : vector<16xf32>
      %add3A_127 = arith.addf %add3A_120, %abs3A_126 : vector<16xf32>
      %add3A_128 = arith.constant 0 : i32
      %add3A_129 = arith.addi %select_n3A_113, %add3A_128 : i32
      %get3A_130 = arith.index_cast %add3A_129 : i32 to index
      %get3A_131 = arith.constant 32 : index
      %get3A_132 = tpu.vector_load %arg6[%get3A_130, %get3A_131] {strides = array<i32>} : memref<64x128xf32, #tpu.memory_space<vmem>>, vector<16xf32>,
      %abs3A_133 = math.absf %get3A_132 : vector<16xf32>
      %add3A_134 = arith.addf %add3A_127, %abs3A_133 : vector<16xf32>
      %add3A_135 = arith.constant 0 : i32
      %add3A_136 = arith.addi %select_n3A_113, %add3A_135 : i32
      %get3A_137 = arith.index_cast %add3A_136 : i32 to index
      %get3A_138 = arith.constant 48 : index
      %get3A_139 = tpu.vector_load %arg6[%get3A_137, %get3A_138] {strides = array<i32>} : memref<64x128xf32, #tpu.memory_space<vmem>>, vector<16xf32>,
      %abs3A_140 = math.absf %get3A_139 : vector<16xf32>
      %add3A_141 = arith.addf %add3A_134, %abs3A_140 : vector<16xf32>
      %add3A_142 = arith.constant 0 : i32
      %add3A_143 = arith.addi %select_n3A_113, %add3A_142 : i32
      %get3A_144 = arith.index_cast %add3A_143 : i32 to index
      %get3A_145 = arith.constant 64 : index
      %get3A_146 = tpu.vector_load %arg6[%get3A_144, %get3A_145] {strides = array<i32>} : memref<64x128xf32, #tpu.memory_space<vmem>>, vector<16xf32>,
      %abs3A_147 = math.absf %get3A_146 : vector<16xf32>
      %add3A_148 = arith.addf %add3A_141, %abs3A_147 : vector<16xf32>
      %add3A_149 = arith.constant 0 : i32
      %add3A_150 = arith.addi %select_n3A_113, %add3A_149 : i32
      %get3A_151 = arith.index_cast %add3A_150 : i32 to index
      %get3A_152 = arith.constant 80 : index
      %get3A_153 = tpu.vector_load %arg6[%get3A_151, %get3A_152] {strides = array<i32>} : memref<64x128xf32, #tpu.memory_space<vmem>>, vector<16xf32>,
      %abs3A_154 = math.absf %get3A_153 : vector<16xf32>
      %add3A_155 = arith.addf %add3A_148, %abs3A_154 : vector<16xf32>
      %add3A_156 = arith.constant 0 : i32
      %add3A_157 = arith.addi %select_n3A_113, %add3A_156 : i32
      %get3A_158 = arith.index_cast %add3A_157 : i32 to index
      %get3A_159 = arith.constant 96 : index
      %get3A_160 = tpu.vector_load %arg6[%get3A_158, %get3A_159] {strides = array<i32>} : memref<64x128xf32, #tpu.memory_space<vmem>>, vector<16xf32>,
      %abs3A_161 = math.absf %get3A_160 : vector<16xf32>
      %add3A_162 = arith.addf %add3A_155, %abs3A_161 : vector<16xf32>
      %add3A_163 = arith.constant 0 : i32
      %add3A_164 = arith.addi %select_n3A_113, %add3A_163 : i32
      %get3A_165 = arith.index_cast %add3A_164 : i32 to index
      %get3A_166 = arith.constant 112 : index
      %get3A_167 = tpu.vector_load %arg6[%get3A_165, %get3A_166] {strides = array<i32>} : memref<64x128xf32, #tpu.memory_space<vmem>>, vector<16xf32>,
      %abs3A_168 = math.absf %get3A_167 : vector<16xf32>
      %add3A_169 = arith.addf %add3A_162, %abs3A_168 : vector<16xf32>
      %add3A_170 = arith.addf %scan3A_86, %add3A_169 : vector<16xf32>
      scf.yield %add3A_170 : vector<16xf32>
    }
    %scan3A_73 = arith.constant 32 : i32
    %broadcast_in_dim3A_74 = arith.constant 0.000000e+00 : f32
    %broadcast_in_dim3A_75 = vector.broadcast %broadcast_in_dim3A_74 : f32 to vector<16xf32>
    %swap3A = arith.constant 0 : index
    %swap3A_76 = tpu.vector_load %arg9[%swap3A] {strides = array<i32>} : memref<16xf32, #tpu.memory_space<vmem>>, vector<16xf32>,
    tpu.vector_store %arg9[%swap3A], %broadcast_in_dim3A_75 {strides = array<i32>} : memref<16xf32, #tpu.memory_space<vmem>>, vector<16xf32>,
    %broadcast_in_dim3A_77 = arith.constant 0 : i32
    %broadcast_in_dim3A_78 = vector.broadcast %broadcast_in_dim3A_77 : i32 to vector<16xi32>
    %reduce_sum3A = arith.constant true
    %reduce_sum3A_79 = vector.broadcast %reduce_sum3A : i1 to vector<16xi1>
    %reduce_sum3A_80 = tpu.scan <sum>, %scan3A_72 masked %reduce_sum3A_79 : vector<16xf32>, vector<16xi1> -> vector<16xf32>
    %reduce_sum3A_81 = vector.extract %reduce_sum3A_80[15] : f32 from vector<16xf32>
    %broadcast_in_dim3A_82 = vector.broadcast %reduce_sum3A_81 : f32 to vector<16xf32>
    tpu.vector_store_idx %arg9[%broadcast_in_dim3A_78], %broadcast_in_dim3A_82 masked %eq3A_44 : memref<16xf32, #tpu.memory_space<vmem>>[vector<16xi32>], vector<16xf32>, vector<16xi1>
    %mul3A_83 = arith.constant 16 : i32
    %mul3A_84 = arith.muli %add3A, %mul3A_83 : i32
    "tpu.region"() ({
      %run_scoped3A = tpu.sem_alloc : memref<!tpu.dma_semaphore, #tpu.memory_space<semaphore_mem>>
      %dma_start3A_85 = tpu.memref_slice %arg5[%mul3A_84] : memref<512xf32, #tpu.memory_space<hbm>> -> memref<16xf32, #tpu.memory_space<hbm>>
      %dma_start3A_86 = tpu.memref_slice %arg5[%mul3A_84] : memref<512xf32, #tpu.memory_space<hbm>> -> memref<16xf32, #tpu.memory_space<hbm>>
      tpu.enqueue_dma source(%arg9 : memref<16xf32, #tpu.memory_space<vmem>>) target(%dma_start3A_86 : memref<16xf32, #tpu.memory_space<hbm>>) target_semaphore(%run_scoped3A : memref<!tpu.dma_semaphore, #tpu.memory_space<semaphore_mem>>)
      %dma_wait3A_87 = tpu.memref_slice %arg5[%mul3A_84] : memref<512xf32, #tpu.memory_space<hbm>> -> memref<16xf32, #tpu.memory_space<hbm>>
      %dma_wait3A_88 = tpu.memref_slice %arg5[%mul3A_84] : memref<512xf32, #tpu.memory_space<hbm>> -> memref<16xf32, #tpu.memory_space<hbm>>
      tpu.wait_dma2 semaphore(%run_scoped3A : memref<!tpu.dma_semaphore, #tpu.memory_space<semaphore_mem>>) src(%arg9 : memref<16xf32, #tpu.memory_space<vmem>>) dst(%dma_wait3A_88 : memref<16xf32, #tpu.memory_space<hbm>>)
      tpu.yield
    }) : () -> ()
    return
  }
}

module attributes {stable_mosaic.version = 14 : i64} {
  func.func @_tc_loss_body(%arg0: memref<512xf32, #tpu.memory_space<vmem>>, %arg1: memref<16x128xf32, #tpu.memory_space<vmem>>, %arg2: memref<16x128xi32, #tpu.memory_space<vmem>>, %arg3: memref<1x1xf32, #tpu.memory_space<smem>>) attributes {dimension_semantics = [], scalar_prefetch = 0 : i64, scratch_operands = 0 : i64, tpu.core_type = #tpu.core_type<tc>} {
    %get3A = arith.constant 0 : index
    %get3A_0 = vector.load %arg0[%get3A] : memref<512xf32, #tpu.memory_space<vmem>>, vector<512xf32>
    %reduce_sum3A = vector.shape_cast %get3A_0 : vector<512xf32> to vector<1x512xf32>
    %reduce_sum3A_1 = arith.constant dense<0.000000e+00> : vector<1xf32>
    %reduce_sum3A_2 = vector.multi_reduction <add>, %reduce_sum3A, %reduce_sum3A_1 [1] : vector<1x512xf32> to vector<1xf32>
    %reduce_sum3A_3 = vector.shape_cast %reduce_sum3A_2 : vector<1xf32> to vector<1x1xf32>
    %reduce_sum3A_4 = vector.extract %reduce_sum3A_3[0, 0] : f32 from vector<1x1xf32>
    %div3A = arith.constant 1.310720e+05 : f32
    %div3A_5 = arith.divf %reduce_sum3A_4, %div3A : f32
    %get3A_6 = arith.constant 0 : index
    %get3A_7 = arith.constant 0 : index
    %get3A_8 = vector.load %arg2[%get3A_6, %get3A_7] : memref<16x128xi32, #tpu.memory_space<vmem>>, vector<16x128xi32>
    %get3A_9 = arith.constant 0 : index
    %get3A_10 = arith.constant 0 : index
    %get3A_11 = vector.load %arg1[%get3A_9, %get3A_10] : memref<16x128xf32, #tpu.memory_space<vmem>>, vector<16x128xf32>
    %eq3A = arith.constant 0 : i32
    %eq3A_12 = vector.broadcast %eq3A : i32 to vector<16x128xi32>
    %eq3A_13 = arith.cmpi eq, %get3A_8, %eq3A_12 : vector<16x128xi32>
    %gt3A = arith.constant 0 : i32
    %gt3A_14 = vector.broadcast %gt3A : i32 to vector<16x128xi32>
    %gt3A_15 = arith.cmpi sgt, %get3A_8, %gt3A_14 : vector<16x128xi32>
    %convert_element_type3A = arith.extui %eq3A_13 : vector<16x128xi1> to vector<16x128xi32>
    %convert_element_type3A_16 = arith.sitofp %convert_element_type3A : vector<16x128xi32> to vector<16x128xf32>
    %convert_element_type3A_17 = arith.extui %gt3A_15 : vector<16x128xi1> to vector<16x128xi32>
    %convert_element_type3A_18 = arith.sitofp %convert_element_type3A_17 : vector<16x128xi32> to vector<16x128xf32>
    %iota3A = tpu.iota {dimensions = array<i32: 0>} : vector<128x128xi32>
    %iota3A_19 = tpu.iota {dimensions = array<i32: 1>} : vector<128x128xi32>
    %le3A = arith.cmpi sle, %iota3A, %iota3A_19 : vector<128x128xi32>
    %convert_element_type3A_20 = arith.extui %le3A : vector<128x128xi1> to vector<128x128xi32>
    %convert_element_type3A_21 = arith.sitofp %convert_element_type3A_20 : vector<128x128xi32> to vector<128x128xf32>
    %dot_general3A = arith.constant dense<0.000000e+00> : vector<16x128xf32>
    %dot_general3A_22 = tpu.matmul %convert_element_type3A_16, %convert_element_type3A_21, %dot_general3A {dimension_numbers = #tpu.dot_dimension_numbers<[1], [0], [0], [1], [0, 0, 1, 1], [], []>, transpose_lhs_hint = false} : vector<16x128xf32>, vector<128x128xf32>, vector<16x128xf32> -> vector<16x128xf32>
    %convert_element_type3A_23 = arith.fptosi %dot_general3A_22 : vector<16x128xf32> to vector<16x128xi32>
    %sub3A = arith.constant 1 : i32
    %sub3A_24 = vector.broadcast %sub3A : i32 to vector<16x128xi32>
    %sub3A_25 = arith.subi %convert_element_type3A_23, %sub3A_24 : vector<16x128xi32>
    %dot_general3A_26 = arith.constant dense<0.000000e+00> : vector<16x128xf32>
    %dot_general3A_27 = tpu.matmul %convert_element_type3A_18, %convert_element_type3A_21, %dot_general3A_26 {dimension_numbers = #tpu.dot_dimension_numbers<[1], [0], [0], [1], [0, 0, 1, 1], [], []>, transpose_lhs_hint = false} : vector<16x128xf32>, vector<128x128xf32>, vector<16x128xf32> -> vector<16x128xf32>
    %convert_element_type3A_28 = arith.fptosi %dot_general3A_27 : vector<16x128xf32> to vector<16x128xi32>
    %sub3A_29 = arith.constant 1 : i32
    %sub3A_30 = vector.broadcast %sub3A_29 : i32 to vector<16x128xi32>
    %sub3A_31 = arith.subi %convert_element_type3A_28, %sub3A_30 : vector<16x128xi32>
    %reduce_sum3A_32 = arith.constant dense<0.000000e+00> : vector<16xf32>
    %reduce_sum3A_33 = vector.multi_reduction <add>, %convert_element_type3A_16, %reduce_sum3A_32 [1] : vector<16x128xf32> to vector<16xf32>
    %broadcast_in_dim3A = vector.shape_cast %reduce_sum3A_33 : vector<16xf32> to vector<16x1xf32>
    %reduce_sum3A_34 = arith.constant dense<0.000000e+00> : vector<16xf32>
    %reduce_sum3A_35 = vector.multi_reduction <add>, %convert_element_type3A_18, %reduce_sum3A_34 [1] : vector<16x128xf32> to vector<16xf32>
    %broadcast_in_dim3A_36 = vector.shape_cast %reduce_sum3A_35 : vector<16xf32> to vector<16x1xf32>
    %convert_element_type3A_37 = arith.fptosi %broadcast_in_dim3A : vector<16x1xf32> to vector<16x1xi32>
    %convert_element_type3A_38 = arith.fptosi %broadcast_in_dim3A_36 : vector<16x1xf32> to vector<16x1xi32>
    %scan3A = arith.constant 0 : i32
    %scan3A_39 = arith.constant 12 : i32
    %scan3A_40 = arith.addi %scan3A, %scan3A_39 : i32
    %scan3A_41 = arith.constant 1 : i32
    %scan3A_42:2 = scf.for %scan3A_148 = %scan3A to %scan3A_40 step %scan3A_41 iter_args(%scan3A_149 = %convert_element_type3A_37, %scan3A_150 = %convert_element_type3A_38) -> (vector<16x1xi32>, vector<16x1xi32>)  : i32 {
      %gt3A_151 = arith.constant 0 : i32
      %gt3A_152 = vector.broadcast %gt3A_151 : i32 to vector<16x1xi32>
      %gt3A_153 = arith.cmpi sgt, %scan3A_150, %gt3A_152 : vector<16x1xi32>
      %select_n3A_154 = arith.select %gt3A_153, %scan3A_150, %scan3A_149 : vector<16x1xi1>, vector<16x1xi32>
      %max3A_155 = arith.constant 1 : i32
      %max3A_156 = vector.broadcast %max3A_155 : i32 to vector<16x1xi32>
      %max3A_157 = arith.maxsi %scan3A_150, %max3A_156 : vector<16x1xi32>
      %rem3A_158 = arith.remsi %scan3A_149, %max3A_157 : vector<16x1xi32>
      %jit3A_159 = arith.constant 0 : i32
      %broadcast_in_dim3A_160 = vector.broadcast %jit3A_159 : i32 to vector<16x1xi32>
      %select_n3A_161 = arith.select %gt3A_153, %rem3A_158, %broadcast_in_dim3A_160 : vector<16x1xi1>, vector<16x1xi32>
      scf.yield %select_n3A_154, %select_n3A_161 : vector<16x1xi32>, vector<16x1xi32>
    }
    %max3A = arith.constant 1 : i32
    %max3A_43 = vector.broadcast %max3A : i32 to vector<16x1xi32>
    %max3A_44 = arith.maxsi %scan3A_42#0, %max3A_43 : vector<16x1xi32>
    %max3A_45 = arith.constant 0 : i32
    %max3A_46 = vector.broadcast %max3A_45 : i32 to vector<16x128xi32>
    %max3A_47 = arith.maxsi %sub3A_25, %max3A_46 : vector<16x128xi32>
    %rem3A = vector.broadcast %max3A_44 : vector<16x1xi32> to vector<16x128xi32>
    %rem3A_48 = arith.remsi %max3A_47, %rem3A : vector<16x128xi32>
    %max3A_49 = arith.constant 0 : i32
    %max3A_50 = vector.broadcast %max3A_49 : i32 to vector<16x128xi32>
    %max3A_51 = arith.maxsi %sub3A_31, %max3A_50 : vector<16x128xi32>
    %rem3A_52 = vector.broadcast %max3A_44 : vector<16x1xi32> to vector<16x128xi32>
    %rem3A_53 = arith.remsi %max3A_51, %rem3A_52 : vector<16x128xi32>
    %broadcast_in_dim3A_54 = vector.shape_cast %get3A_11 : vector<16x128xf32> to vector<16x128x1xf32>
    %broadcast_in_dim3A_55 = vector.shape_cast %get3A_11 : vector<16x128xf32> to vector<16x1x128xf32>
    %max3A_56 = vector.broadcast %broadcast_in_dim3A_54 : vector<16x128x1xf32> to vector<16x128x128xf32>
    %max3A_57 = vector.broadcast %broadcast_in_dim3A_55 : vector<16x1x128xf32> to vector<16x128x128xf32>
    %max3A_58 = arith.maximumf %max3A_56, %max3A_57 : vector<16x128x128xf32>
    %sub3A_59 = vector.broadcast %broadcast_in_dim3A_54 : vector<16x128x1xf32> to vector<16x128x128xf32>
    %sub3A_60 = vector.broadcast %broadcast_in_dim3A_55 : vector<16x1x128xf32> to vector<16x128x128xf32>
    %sub3A_61 = arith.subf %sub3A_59, %sub3A_60 : vector<16x128x128xf32>
    %abs3A = math.absf %sub3A_61 : vector<16x128x128xf32>
    %neg3A = arith.constant 0.000000e+00 : f32
    %neg3A_62 = vector.broadcast %neg3A : f32 to vector<16x128x128xf32>
    %neg3A_63 = arith.subf %neg3A_62, %abs3A : vector<16x128x128xf32>
    %exp3A = math.exp %neg3A_63 : vector<16x128x128xf32>
    %log1p3A = math.log1p %exp3A : vector<16x128x128xf32>
    %add3A = arith.addf %max3A_58, %log1p3A : vector<16x128x128xf32>
    %sub3A_64 = vector.broadcast %broadcast_in_dim3A_54 : vector<16x128x1xf32> to vector<16x128x128xf32>
    %sub3A_65 = arith.subf %sub3A_64, %add3A : vector<16x128x128xf32>
    %sub3A_66 = vector.broadcast %broadcast_in_dim3A_55 : vector<16x1x128xf32> to vector<16x128x128xf32>
    %sub3A_67 = arith.subf %sub3A_66, %add3A : vector<16x128x128xf32>
    %add3A_68 = arith.addf %sub3A_65, %sub3A_67 : vector<16x128x128xf32>
    %add3A_69 = arith.constant 9.99999997E-7 : f32
    %add3A_70 = vector.broadcast %add3A_69 : f32 to vector<16x128x128xf32>
    %add3A_71 = arith.addf %add3A_68, %add3A_70 : vector<16x128x128xf32>
    %div3A_72 = arith.divf %sub3A_65, %add3A_71 : vector<16x128x128xf32>
    %convert_element_type3A_73 = arith.sitofp %rem3A_48 : vector<16x128xi32> to vector<16x128xf32>
    %broadcast_in_dim3A_74 = vector.shape_cast %convert_element_type3A_73 : vector<16x128xf32> to vector<16x128x1xf32>
    %convert_element_type3A_75 = arith.sitofp %rem3A_53 : vector<16x128xi32> to vector<16x128xf32>
    %broadcast_in_dim3A_76 = vector.shape_cast %convert_element_type3A_75 : vector<16x128xf32> to vector<16x1x128xf32>
    %eq3A_77 = vector.broadcast %broadcast_in_dim3A_74 : vector<16x128x1xf32> to vector<16x128x128xf32>
    %eq3A_78 = vector.broadcast %broadcast_in_dim3A_76 : vector<16x1x128xf32> to vector<16x128x128xf32>
    %eq3A_79 = arith.cmpf oeq, %eq3A_77, %eq3A_78 : vector<16x128x128xf32>
    %broadcast_in_dim3A_80 = vector.shape_cast %convert_element_type3A_16 : vector<16x128xf32> to vector<16x128x1xf32>
    %broadcast_in_dim3A_81 = vector.shape_cast %convert_element_type3A_18 : vector<16x128xf32> to vector<16x1x128xf32>
    %mul3A = vector.broadcast %broadcast_in_dim3A_80 : vector<16x128x1xf32> to vector<16x128x128xf32>
    %mul3A_82 = vector.broadcast %broadcast_in_dim3A_81 : vector<16x1x128xf32> to vector<16x128x128xf32>
    %mul3A_83 = arith.mulf %mul3A, %mul3A_82 : vector<16x128x128xf32>
    %jit3A = arith.constant 1.000000e+00 : f32
    %jit3A_84 = arith.constant 0.000000e+00 : f32
    %broadcast_in_dim3A_85 = vector.broadcast %jit3A : f32 to vector<16x128x128xf32>
    %broadcast_in_dim3A_86 = vector.broadcast %jit3A_84 : f32 to vector<16x128x128xf32>
    %select_n3A = arith.select %eq3A_79, %broadcast_in_dim3A_85, %broadcast_in_dim3A_86 : vector<16x128x128xi1>, vector<16x128x128xf32>
    %mul3A_87 = arith.mulf %mul3A_83, %select_n3A : vector<16x128x128xf32>
    %gt3A_88 = arith.constant 0.000000e+00 : f32
    %gt3A_89 = vector.broadcast %gt3A_88 : f32 to vector<16x128x128xf32>
    %gt3A_90 = arith.cmpf ogt, %mul3A_87, %gt3A_89 : vector<16x128x128xf32>
    %convert_element_type3A_91 = arith.sitofp %scan3A_42#0 : vector<16x1xi32> to vector<16x1xf32>
    %broadcast_in_dim3A_92 = vector.shape_cast %convert_element_type3A_91 : vector<16x1xf32> to vector<16x1x1xf32>
    %mul3A_93 = arith.mulf %broadcast_in_dim3A, %broadcast_in_dim3A_36 : vector<16x1xf32>
    %squeeze3A = vector.shape_cast %mul3A_93 : vector<16x1xf32> to vector<16xf32>
    %gt3A_94 = arith.constant 0.000000e+00 : f32
    %gt3A_95 = vector.broadcast %gt3A_94 : f32 to vector<16xf32>
    %gt3A_96 = arith.cmpf ogt, %squeeze3A, %gt3A_95 : vector<16xf32>
    %mul3A_97 = arith.mulf %mul3A_87, %div3A_72 : vector<16x128x128xf32>
    %mul3A_98 = vector.broadcast %broadcast_in_dim3A_92 : vector<16x1x1xf32> to vector<16x128x128xf32>
    %mul3A_99 = arith.mulf %mul3A_97, %mul3A_98 : vector<16x128x128xf32>
    %reduce_sum3A_100 = arith.constant dense<0.000000e+00> : vector<16xf32>
    %reduce_sum3A_101 = vector.multi_reduction <add>, %mul3A_99, %reduce_sum3A_100 [1, 2] : vector<16x128x128xf32> to vector<16xf32>
    %jit3A_102 = arith.constant 0xFF800000 : f32
    %broadcast_in_dim3A_103 = vector.broadcast %jit3A_102 : f32 to vector<16x128x128xf32>
    %select_n3A_104 = arith.select %gt3A_90, %div3A_72, %broadcast_in_dim3A_103 : vector<16x128x128xi1>, vector<16x128x128xf32>
    %reduce_max3A = arith.constant dense<0xFF800000> : vector<16xf32>
    %reduce_max3A_105 = vector.multi_reduction <maximumf>, %select_n3A_104, %reduce_max3A [1, 2] : vector<16x128x128xf32> to vector<16xf32>
    %jit3A_106 = arith.constant 0.000000e+00 : f32
    %broadcast_in_dim3A_107 = vector.broadcast %jit3A_106 : f32 to vector<16xf32>
    %select_n3A_108 = arith.select %gt3A_96, %reduce_max3A_105, %broadcast_in_dim3A_107 : vector<16xi1>, vector<16xf32>
    %broadcast_in_dim3A_109 = vector.shape_cast %select_n3A_108 : vector<16xf32> to vector<16x1x1xf32>
    %sub3A_110 = vector.broadcast %broadcast_in_dim3A_109 : vector<16x1x1xf32> to vector<16x128x128xf32>
    %sub3A_111 = arith.subf %div3A_72, %sub3A_110 : vector<16x128x128xf32>
    %exp3A_112 = math.exp %sub3A_111 : vector<16x128x128xf32>
    %mul3A_113 = arith.mulf %mul3A_87, %exp3A_112 : vector<16x128x128xf32>
    %reduce_sum3A_114 = arith.constant dense<0.000000e+00> : vector<16xf32>
    %reduce_sum3A_115 = vector.multi_reduction <add>, %mul3A_113, %reduce_sum3A_114 [1, 2] : vector<16x128x128xf32> to vector<16xf32>
    %squeeze3A_116 = vector.shape_cast %broadcast_in_dim3A_92 : vector<16x1x1xf32> to vector<16xf32>
    %mul3A_117 = arith.mulf %reduce_sum3A_115, %squeeze3A_116 : vector<16xf32>
    %max3A_118 = arith.constant 1.000000e-30 : f32
    %max3A_119 = vector.broadcast %max3A_118 : f32 to vector<16xf32>
    %max3A_120 = arith.maximumf %mul3A_117, %max3A_119 : vector<16xf32>
    %log3A = math.log %max3A_120 : vector<16xf32>
    %jit3A_121 = arith.constant 0.000000e+00 : f32
    %broadcast_in_dim3A_122 = vector.broadcast %jit3A_121 : f32 to vector<16xf32>
    %select_n3A_123 = arith.select %gt3A_96, %log3A, %broadcast_in_dim3A_122 : vector<16xi1>, vector<16xf32>
    %add3A_124 = arith.addf %select_n3A_108, %select_n3A_123 : vector<16xf32>
    %mul3A_125 = arith.mulf %squeeze3A, %add3A_124 : vector<16xf32>
    %sub3A_126 = arith.subf %mul3A_125, %reduce_sum3A_101 : vector<16xf32>
    %jit3A_127 = arith.constant 0.000000e+00 : f32
    %broadcast_in_dim3A_128 = vector.broadcast %jit3A_127 : f32 to vector<16xf32>
    %select_n3A_129 = arith.select %gt3A_96, %sub3A_126, %broadcast_in_dim3A_128 : vector<16xi1>, vector<16xf32>
    %reduce_sum3A_130 = vector.shape_cast %select_n3A_129 : vector<16xf32> to vector<1x16xf32>
    %reduce_sum3A_131 = arith.constant dense<0.000000e+00> : vector<1xf32>
    %reduce_sum3A_132 = vector.multi_reduction <add>, %reduce_sum3A_130, %reduce_sum3A_131 [1] : vector<1x16xf32> to vector<1xf32>
    %reduce_sum3A_133 = vector.shape_cast %reduce_sum3A_132 : vector<1xf32> to vector<1x1xf32>
    %reduce_sum3A_134 = vector.extract %reduce_sum3A_133[0, 0] : f32 from vector<1x1xf32>
    %reduce_sum3A_135 = vector.shape_cast %squeeze3A : vector<16xf32> to vector<1x16xf32>
    %reduce_sum3A_136 = arith.constant dense<0.000000e+00> : vector<1xf32>
    %reduce_sum3A_137 = vector.multi_reduction <add>, %reduce_sum3A_135, %reduce_sum3A_136 [1] : vector<1x16xf32> to vector<1xf32>
    %reduce_sum3A_138 = vector.shape_cast %reduce_sum3A_137 : vector<1xf32> to vector<1x1xf32>
    %reduce_sum3A_139 = vector.extract %reduce_sum3A_138[0, 0] : f32 from vector<1x1xf32>
    %mul3A_140 = arith.constant 1.000000e+00 : f32
    %mul3A_141 = arith.mulf %mul3A_140, %reduce_sum3A_134 : f32
    %mul3A_142 = arith.constant 1.000000e-01 : f32
    %mul3A_143 = arith.mulf %mul3A_142, %div3A_5 : f32
    %add3A_144 = arith.addf %reduce_sum3A_139, %mul3A_143 : f32
    %div3A_145 = arith.divf %mul3A_141, %add3A_144 : f32
    %swap3A = arith.constant 0 : index
    %swap3A_146 = arith.constant 0 : index
    %swap3A_147 = memref.load %arg3[%swap3A, %swap3A_146] : memref<1x1xf32, #tpu.memory_space<smem>>
    memref.store %div3A_145, %arg3[%swap3A, %swap3A_146] : memref<1x1xf32, #tpu.memory_space<smem>>
    return
  }
}

</mosaic_0001>

<sc_bundles>
// kernel: kernel.4.cloned.1.call-start
scs
__scs_entry_jumppad:
0x0: {  	(pc) =	sbr.rel $0x88, $3  }
0x1: {  	(tag) =	ssettag $0x0;
	lr =	simm.s32 $0x1  }
0x2: {  	[smem:$0x3F9E] =	sst lr;
	_ =	strace $0xD0000000  }
0x3: {  	_ = 	snop  }
0x4: {  	_ = 	snop  }
0x5: {  	_ = 	snop  }
0x6: {  	_ = 	snop  }
0x7: {  	_ = 	snop  }
__scs_overlays_trampoline_lowered:
0x8: {  	[smem:$0x3FAD] =	sst s0  }
0x9: {  	[smem:$0x3FAE] =	sst s1  }
0xa: {  	[smem:$0x3FAF] =	sst s2  }
0xb: {  	[smem:$0x3FB0] =	sst s3  }
0xc: {  	[smem:$0x3FB1] =	sst s4  }
0xd: {  	[smem:$0x3FB2] =	sst s5  }
0xe: {  	[smem:$0x3FB3] =	sst s6  }
0xf: {  	[smem:$0x3FB4] =	sst s7  }
0x10: {  	[smem:$0x3FB5] =	sst s8  }
0x11: {  	[smem:$0x3FB6] =	sst s9;
	s0 =	simm.s32 @!p0 $0x0  }
0x12: {  	s1 =	sld [smem:$0x3F9C];
	s0 =	simm.s32 @p0 $0x1  }
0x13: {  	[smem:$0x3FB7] =	sst s0;
	s0 =	simm.s32 @!p1 $0x0  }
0x14: {  	s2 =	sld [smem:$0x3F9B];
	s0 =	simm.s32 @p1 $0x1  }
0x15: {  	[smem:$0x3FB8] =	sst s0;
	s0 =	simm.s32 @!p2 $0x0  }
0x16: {  	s3 =	sld [smem:$0x3FDB];
	s0 =	simm.s32 @p2 $0x1  }
0x17: {  	s4 =	simm.s32 $0x1BF5;
	[smem:$0x3FBA] =	sst s0  }
0x18: {  	s0 =	sld [smem:$0x3F9D];
	_ =	swait.ge [sflag:s4], $0x0  }
0x19: {  	s7 =	sld [smem:$0x3F9E]  }
0x1a: {  	s8 =	sadd.s32 $0xFFFFE003, lr  }
0x1b: {  	s9 =	sadd.s32 $0xFFFFFEF7, lr;
	s5 =	simm.s32 $0xFFFFFFFF;
	p2 =	slt.u32 s8, $0xFFFFF086  }
0x1c: {  	p1 =	slt.u32 s9, $0xF7A;
	s5 =	simm.s32 @!p2 $0x0  }
0x1d: {  	s5 =	simm.s32 @p1 $0x1;
	p0 =	seq.s32 s7, s2  }
0x1e: {  	s7 =	smul.u32 @!p0 $0xF7A, s2;
	p2 =	seq.s32 @!p0 s5, $0x0  }
0x1f: {  	s9 =	smul.u32 $0xF7A, s1;
	s8 =	simm.s32 @!p0 $0x1BF5;
	p2 =	por !p2, p0  }
0x20: {  	[sflag:s8] =	ssyncset.s32 @!p0 $0xFFFFF086;
	s6 =	sadd.s32 @!p0 s3, s7;
	s7 =	simm.s32 @!p0 $0x108  }
0x21: {  	s3 =	sadd.s32 s3, s9;
	s6 =	sadd.s32 @!p0 $0x88, s6;
	s7 =	simm.s32 @p2 $0x1082  }
0x22: {  	[simem:s7], [sflag:s8] =	dma.local @!p0 [hbm:s6], $0xF7A  }
0x23: {  	s9 =	sor.u32 $0xD0000000, s2;
	s6 =	simm.s32 $0x108;
	_ =	swait.ge @!p0 [sflag:s8], $0x0  }
0x24: {  	s3 =	sadd.s32 $0x88, s3;
	s6 =	simm.s32 @!p1 $0x1082;
	[sflag:s4] =	ssyncset.s32 $0xFFFFF086  }
0x25: {  	[simem:s6], [sflag:s4] =	dma.local [hbm:s3], $0xF7A  }
0x26: {  	[smem:$0x3F9E] =	sst s1;
	(tag) =	ssettag s2;
	_ =	strace s9  }
0x27: {  	s1 =	sld [smem:$0x3FAE]  }
0x28: {  	s2 =	sld [smem:$0x3FAF]  }
0x29: {  	s4 =	sld [smem:$0x3FB1]  }
0x2a: {  	p0 =	seq.s32 s5, $0x0;
	s5 =	sld [smem:$0x3FB2]  }
0x2b: {  	s6 =	sld [smem:$0x3FB3]  }
0x2c: {  	s7 =	sld [smem:$0x3FB4]  }
0x2d: {  	s3 =	simm.s32 $0x108;
	s8 =	sld [smem:$0x3FB5]  }
0x2e: {  	s3 =	simm.s32 @!p0 $0x1082;
	s9 =	sld [smem:$0x3FB6]  }
0x2f: {  	lr =	sadd.s32 s0, s3;
	s0 =	sld [smem:$0x3FAD]  }
0x30: {  	s3 =	sld [smem:$0x3FB0]  }
0x31: {  	[smem:$0x3FB9] =	sst s10  }
0x32: {  	s10 =	sld [smem:$0x3FB7];
	_ =	sdelay $0x3  }
0x33: {  	p0 =	seq.s32 s10, $0x1;
	s10 =	sld [smem:$0x3FB9];
	_ =	sdelay $0x3  }
0x34: {  	[smem:$0x3FB9] =	sst s10  }
0x35: {  	s10 =	sld [smem:$0x3FB8];
	_ =	sdelay $0x3  }
0x36: {  	p1 =	seq.s32 s10, $0x1;
	s10 =	sld [smem:$0x3FB9];
	_ =	sdelay $0x3  }
0x37: {  	[smem:$0x3FB9] =	sst s10  }
0x38: {  	s10 =	sld [smem:$0x3FBA]  }
0x39: {  	_ = 	snop;
	(pc) =	sbr.ind lr, $3  }
0x3a: {  	_ = 	snop  }
0x3b: {  	_ = 	snop  }
0x3c: {  	p2 =	seq.s32 s10, $0x1;
	s10 =	sld [smem:$0x3FB9]  }
0x3d: {  	_ =	shalt  }
0x3e: {  	_ =	shalt  }
0x3f: {  	_ =	shalt  }
0x40: {  	_ =	shalt  }
0x41: {  	_ =	shalt  }
0x42: {  	_ =	shalt  }
0x43: {  	_ =	shalt  }
0x44: {  	_ =	shalt  }
0x45: {  	_ =	shalt  }
0x46: {  	_ =	shalt  }
0x47: {  	_ =	shalt  }
0x48: {  	_ =	shalt  }
0x49: {  	_ =	shalt  }
0x4a: {  	_ =	shalt  }
0x4b: {  	_ =	shalt  }
0x4c: {  	_ =	shalt  }
0x4d: {  	_ =	shalt  }
0x4e: {  	_ =	shalt  }
0x4f: {  	_ =	shalt  }
0x50: {  	_ =	shalt  }
0x51: {  	_ =	shalt  }
0x52: {  	_ =	shalt  }
0x53: {  	_ =	shalt  }
0x54: {  	_ =	shalt  }
0x55: {  	_ =	shalt  }
0x56: {  	_ =	shalt  }
0x57: {  	_ =	shalt  }
0x58: {  	_ =	shalt  }
0x59: {  	_ =	shalt  }
0x5a: {  	_ =	shalt  }
0x5b: {  	_ =	shalt  }
0x5c: {  	_ =	shalt  }
0x5d: {  	_ =	shalt  }
0x5e: {  	_ =	shalt  }
0x5f: {  	_ =	shalt  }
0x60: {  	_ =	shalt  }
0x61: {  	_ =	shalt  }
0x62: {  	_ =	shalt  }
0x63: {  	_ =	shalt  }
0x64: {  	_ =	shalt  }
0x65: {  	_ =	shalt  }
0x66: {  	_ =	shalt  }
0x67: {  	_ =	shalt  }
0x68: {  	_ =	shalt  }
0x69: {  	_ =	shalt  }
0x6a: {  	_ =	shalt  }
0x6b: {  	_ =	shalt  }
0x6c: {  	_ =	shalt  }
0x6d: {  	_ =	shalt  }
0x6e: {  	_ =	shalt  }
0x6f: {  	_ =	shalt  }
0x70: {  	_ =	shalt  }
0x71: {  	_ =	shalt  }
0x72: {  	_ =	shalt  }
0x73: {  	_ =	shalt  }
0x74: {  	_ =	shalt  }
0x75: {  	_ =	shalt  }
0x76: {  	_ =	shalt  }
0x77: {  	_ =	shalt  }
0x78: {  	_ =	shalt  }
0x79: {  	_ =	shalt  }
0x7a: {  	_ =	shalt  }
0x7b: {  	_ =	shalt  }
0x7c: {  	_ =	shalt  }
0x7d: {  	_ =	shalt  }
0x7e: {  	_ =	shalt  }
0x7f: {  	_ =	shalt  }
0x80: {  	_ =	shalt  }
0x81: {  	_ =	shalt  }
0x82: {  	_ =	shalt  }
0x83: {  	_ =	shalt  }
0x84: {  	_ =	shalt  }
0x85: {  	_ =	shalt  }
0x86: {  	_ =	shalt  }
0x87: {  	_ =	shalt  }
.Lfunc_end0:
.L_simem_size_0:
called_computation_lowered:
.L_overlay_start_0:
0x88: {  	s2 =	sld [smem:$0x3FD9]  }
0x89: {  	s3 =	sld [smem:$0x3FFE];
	_ =	sdelay $0x1  }
0x8a: {  	s1 =	srdreg.scid  }
0x8b: {  	s0 =	sand.u32 $0x1, s1  }
0x8c: {  	s17 =	sshll.u32 s0, $0xA;
	s2 =	sadd.s32 s3, s2  }
0x8d: {  	s2 =	sadd.s32 s2, s17  }
0x8e: {  	[smem:$0x3FC5] =	sst s2  }
0x8f: {  	_ = 	snop  }
0x90: {  	s2 =	sld [smem:$0x3FC9];
	(tm) =	ssettm $0x1  }
0x91: {  	s18 =	sld [smem:$0x3FFB];
	_ =	sdelay $0x3  }
0x92: {  	_ =	strace s18  }
0x93: {  	s3 =	sld [smem:$0x3FFC];
	_ =	sdelay $0x3  }
0x94: {  	_ =	strace s3  }
0x95: {  	s3 =	sld [smem:$0x3FFD];
	_ =	sdelay $0x3  }
0x96: {  	_ =	strace s3  }
0x97: {  	_ =	strace $0x8FFFFFFF  }
0x98: {  	s19 =	sld [smem:$0x3FDB];
	_ =	sdelay $0x1  }
0x99: {  	s4 =	simm.s32 $_scs_section_size  }
0x9a: {  	s5 =	simm.s32 $_size__tile_overlayer_lowered;
	s6 =	simm.s32 $_tile_overlayer_lowered  }
0x9b: {  	s22 =	simm.s32 $0x1BFF;
	s21 =	sshll.u32 s6, $0x1;
	s3 =	sadd.s32 s4, s19  }
0x9c: {  	s7 =	simm.s32 $0x0;
	s20 =	sshll.u32 s5, $0x1;
	s5 =	sadd.s32 s21, s3  }
0x9d: {  	[timem:s7], [sflag:s22] =	dma.local [hbm:s5], s20  }
0x9e: {  	_ =	swait.ge [sflag:s22], s20  }
0x9f: {  	s4 =	ssub.s32 $0x0, s20;
	[sflag:s22] =	ssyncset.done $0x0  }
0xa0: {  	[sflag:s22] =	ssyncadd.s32 s4;
	_ =	sdelay $0x1  }
0xa1: {  	s23 =	simm.s32 $0x1B8B  }
0xa2: {  	_ =	swait.ge [sflag:s23], $0x1  }
0xa3: {  	[sflag:s23] =	ssyncset.done $0x0  }
0xa4: {  	s25 =	simm.s32 $0x1B8E;
	s24 =	sld [smem:$0x3FFE];
	[sflag:s23] =	ssyncadd.s32 $0xFFFFFFFF  }
0xa5: {  	s26 =	simm.s32 $execute0_lowered;
	[smem:$0x3FD2] =	sst s25  }
0xa6: {  	s5 =	sshll.u32 s26, $0x1;
	_ =	strace $0x80000046;
	[dreg:$0x1] =	wrdreg $0xFFFFFFFF  }
0xa7: {  	s28 =	simm.s32 $_size_execute0_lowered;
	s3 =	sadd.s32 s3, s5;
	[dreg:$0x0] =	wrdreg $0x0  }
0xa8: {  	s5 =	sshll.u32 s28, $0x1;
	[dreg:$0x2] =	wrdreg s3  }
0xa9: {  	[dreg:$0x3] =	wrdreg s5  }
0xaa: {  	[dreg:$0x4] =	wrdreg $0xC0  }
0xab: {  	_ =	task [dreg:s7], $0x5FFFF  }
0xac: {  	[dreg:$0x1] =	wrdreg $0xFFFFFFFF  }
0xad: {  	[dreg:$0x0] =	wrdreg $0x60  }
0xae: {  	[dreg:$0x2] =	wrdreg s2  }
0xaf: {  	[dreg:$0x3] =	wrdreg s24  }
0xb0: {  	[dreg:$0x4] =	wrdreg $0x9  }
0xb1: {  	_ =	task.clear_ibuf [dreg:s7], $0x5FFFF;
	_ =	strace $0x90000046  }
0xb2: {  	s29 =	simm.s32 $0x9;
	_ =	strace $0x80000048  }
0xb3: {  	_ =	swait.ge [sflag:s29], $0x1  }
0xb4: {  	[sflag:s29] =	ssyncadd.s32 $0xFFFFFFFF  }
0xb5: {  	_ =	strace $0x90000048  }
0xb6: {  	_ =	sfence  }
0xb7: {  	s30 =	sld [smem:$0x0];
	_ =	sdelay $0x2  }
0xb8: {  	s31 =	sshll.u32 s1, $0xD;
	s1 =	sshrl.u32 s1, $0x2  }
0xb9: {  	s3 =	sand.u32 $0x4000, s31;
	s1 =	sadd.s32 s1, s30  }
0xba: {  	s0 =	sor.u32 s3, s0;
	s1 =	sshll.u32 s1, $0x11  }
0xbb: {  	s0 =	sor.u32 s1, s0  }
0xbc: {  	s0 =	sadd.s32 $0x8F2B, s0  }
0xbd: {  	[sflag:s0] =	ssyncadd.remote.s32 $0x1  }
0xbe: {  	_ =	sfence.sel $0xFFFF  }
0xbf: {  	[dreg:$0x0] =	wrdreg $0xFFFFFFFF;
	(pc) =	sbr.abs _section_cstart, $3  }
0xc0: {  	[dreg:$0x1] =	wrdreg $0xFFFFFFFF  }
0xc1: {  	_ =	task.clear_ibuf [dreg:s7], $0x2FFFF;
	_ =	strace $0x9FFFFFFF  }
0xc2: {  	(tm) =	ssettm $0x7FFFFFFF  }
0xc3: {  	_ =	shalt  }
tec
execute0_lowered:
.L_overlay_start_1:
0x0: {  	(tag) =	ssettag $0x1  }
0x1: {  	s4 =	rddreg [dreg:$0x0]  }
0x2: {  	s1 =	srdreg.scid;
	s0 =	stileid.u32  }
0x3: {  	s3 =	rddreg [dreg:$0x1];
	s2 =	simm.s32 $0x0;
	s8 =	simm.s32 $0x1  }
0x4: {  	s9 =	sand.u32 $0x1, s1;
	s5 =	sshll.u32 s0, $0x1;
	s1 =	rddreg [dreg:$0x2]  }
0x5: {  	s12 =	simm.s32 $0x6080;
	[smem:$0x7FF] =	sst s2;
	s5 =	sor.u32 s9, s5  }
0x6: {  	p1 =	seq.s32 s9, $0x1;
	_ =	strace $0x80000047;
	s10 =	ssub.s32 $0x2, s9  }
0x7: {  	s9 =	sshll.u32 s9, $0xC;
	p0 =	seq.s32 s5, $0x0;
	s6 =	sshll.u32 s5, $0xB  }
0x8: {  	s7 =	sshll.u32 s5, $0x3;
	s5 =	sshll.u32 s5, $0x1;
	p0 =	por !p0, !p1  }
0x9: {  	s29 =	sshrl.u32 s10, $0x1;
	s13 =	sor.u32 $0x40, s9;
	p0 =	por !p0, !p0  }
0xa: {  	s9 =	simm.s32 $0x2000;
	s6 =	sadd.s32 s6, s3;
	s8 =	simm.s32 @!p0 $0x0  }
0xb: {  	s7 =	sadd.s32 s7, s3;
	s11 =	sadd.s32 s5, s3;
	v2 =	vmov s13;
	s8 =	ssub.s32 s0, s8  }
0xc: {  	s31 =	ssub.s32 s10, s29;
	s3 =	simm.s32 $0x1;
	s30 =	sshll.u32 s8, $0xA  }
0xd: {  	s10 =	simm.s32 $0x6000;
	s13 =	simm.s32 $0x0;
	s5 =	sand.u32 $0x1FFFFC00, s30  }
0xe: {  	s8 =	smax.u32 s31, $0x1;
	s4 =	sadd.s32 s4, s5;
	s5 =	sadd.s32 $0xA00, s6  }
0xf: {  	vm0 =	vmmov $0xff;
	v0 =	vimm.f32 $0.0e+00;
	v1 =	vimm.s32 $0x0;
	s6 =	sadd.s32 $0x10A00, s7;
	s7 =	sadd.s32 $0x10C00, s11;
	s11 =	simm.s32 $0x2  }
.LBB2_1:
0x10: {  	[tilespmem:s2], [sflag:$0x1] =	stream.linear.gather [hbm4b:s4+s2], $0x2000, $0x38;
	[tilespmem:$0x6100] =	vst v63  }
0x11: {  	_ = 	snop  }
0x12: {  	[tilespmem:s9], [sflag:$0x1] =	stream.linear.gather [hbm4b:s5+s2], $0x4000, $0x38;
	[tilespmem:$0x6100] =	vst v63  }
0x13: {  	_ =	swait.ge [sflag:s3], $0x2000  }
0x14: {  	[sflag:s3] =	ssyncset.done $0x0  }
0x15: {  	[sflag:s3] =	ssyncadd.s32 $0xFFFFE000  }
0x16: {  	s14 =	sand.u32 $0x3800, s2;
	s15 =	sand.u32 $0x300, s2;
	_ =	swait.ge [sflag:s3], $0x4000  }
0x17: {  	s31 =	simm.s32 $0x80;
	s16 =	sadd.s32 $0x2000, s14;
	[sflag:s3] =	ssyncset.done $0x0  }
0x18: {  	s14 =	sor.u32 s15, s16;
	s15 =	sand.u32 $0x380, s31;
	[sflag:s3] =	ssyncadd.s32 $0xFFFFC000  }
0x19: {  	s18 =	sor.u32 s15, s16;
	v3 =	vld [tilespmem:s14+$0x430]  }
0x1a: {  	v6 =	vld [tilespmem:s18+$0x438]  }
0x1b: {  	v10 =	vld [tilespmem:s14+$0x410]  }
0x1c: {  	v20 =	vld [tilespmem:s14+$0x60]  }
0x1d: {  	v27 =	vld [tilespmem:s18+$0x40]  }
0x1e: {  	v30 =	vld [tilespmem:s14+$0x30]  }
0x1f: {  	v37 =	vld [tilespmem:s14+$0x20];
	_ =	sdelay $0x1  }
0x20: {  	v5 =	vshrl.u32 v3, $0x10;
	v3 =	vshll.u32 v3, $0x7;
	v11 =	vshrl.u32 v6, $0x10  }
0x21: {  	v4 =	vld [tilespmem:s14+$0x438];
	v6 =	vshll.u32 v6, $0x7;
	v17 =	vshrl.u32 v10, $0x10;
	v10 =	vshll.u32 v10, $0x7  }
0x22: {  	v26 =	vshrl.u32 v20, $0x10;
	v20 =	vshll.u32 v20, $0x7;
	v63 =	vshrl.u32 v30, $0x10  }
0x23: {  	v34 =	vshll.u32 v30, $0x7;
	v30 =	vshrl.u32 v27, $0x10;
	v36 =	vshrl.u32 v37, $0x10  }
0x24: {  	v38 =	vshll.u32 v37, $0x7;
	v3 =	vand.u32 $0x7FFF80, v3;
	v7 =	vand.u32 $0xFF80, v5  }
0x25: {  	v9 =	vld [tilespmem:s14+$0x420];
	v5 =	vand.u32 $0x7F, v5;
	v10 =	vand.u32 $0x7FFF80, v10;
	v3 =	vadd.s32 v7, v3  }
0x26: {  	v16 =	vor.u32 v5, v3;
	v3 =	vshrl.u32 v4, $0x10;
	v4 =	vshll.u32 v4, $0x7  }
0x27: {  	v5 =	vand.u32 $0x7F, v3;
	v4 =	vand.u32 $0x7FFF80, v4;
	v3 =	vand.u32 $0xFF80, v3  }
0x28: {  	v8 =	vld [tilespmem:s18+$0x430];
	v20 =	vand.u32 $0x7FFF80, v20;
	v35 =	vand.u32 $0x7F, v63;
	v3 =	vadd.s32 v3, v4  }
0x29: {  	v12 =	vld [tilespmem:s18+$0x420];
	v4 =	vand.u32 $0x7F, v11;
	v3 =	vor.u32 v5, v3;
	v5 =	vand.u32 $0x7FFF80, v6  }
0x2a: {  	v14 =	vld [tilespmem:s18+$0x410];
	v6 =	vand.u32 $0xFF80, v11;
	v11 =	vshrl.u32 v9, $0x10;
	v9 =	vshll.u32 v9, $0x7  }
0x2b: {  	v13 =	vld [tilespmem:s14+$0x400];
	v15 =	vand.u32 $0x7F, v11;
	v9 =	vand.u32 $0x7FFF80, v9;
	v11 =	vand.u32 $0xFF80, v11  }
0x2c: {  	v39 =	vand.u32 $0x7FFF80, v34;
	v40 =	vand.u32 $0xFF80, v63;
	v9 =	vadd.s32 v11, v9  }
0x2d: {  	v7 =	vshrl.u32 v8, $0x10;
	v11 =	vand.u32 $0xFF80, v17;
	v9 =	vor.u32 v15, v9  }
0x2e: {  	v19 =	vld [tilespmem:s14+$0x70];
	v15 =	vand.u32 $0x7F, v17;
	v10 =	vadd.s32 v11, v10;
	v17 =	vshll.u32 v12, $0x7  }
0x2f: {  	v11 =	vshrl.u32 v12, $0x10;
	v10 =	vor.u32 v15, v10;
	v12 =	vand.u32 $0x7FFF80, v17  }
0x30: {  	v15 =	vshrl.u32 v13, $0x10;
	v17 =	vshll.u32 v13, $0x7;
	v13 =	vshrl.u32 v14, $0x10  }
0x31: {  	v14 =	vshll.u32 v14, $0x7;
	v17 =	vand.u32 $0x7FFF80, v17;
	v21 =	vand.u32 $0xFF80, v15  }
0x32: {  	v23 =	vld [tilespmem:s14+$0x50];
	v22 =	vand.u32 $0x7F, v15;
	v15 =	vand.u32 $0x7FFF80, v14;
	v17 =	vadd.s32 v21, v17  }
0x33: {  	v24 =	vld [tilespmem:s18+$0x60];
	v14 =	vor.u32 v22, v17;
	v22 =	vshrl.u32 v19, $0x10;
	v19 =	vshll.u32 v19, $0x7  }
0x34: {  	v25 =	vand.u32 $0x7F, v22;
	v19 =	vand.u32 $0x7FFF80, v19;
	v22 =	vand.u32 $0xFF80, v22  }
0x35: {  	v28 =	vld [tilespmem:s14+$0x40];
	v8 =	vshll.u32 v8, $0x7;
	v37 =	vadd.s32 v40, v39;
	v19 =	vadd.s32 v22, v19  }
0x36: {  	v18 =	vld [tilespmem:s18+$0x400];
	v8 =	vand.u32 $0x7FFF80, v8;
	v22 =	vand.u32 $0xFF80, v26;
	v19 =	vor.u32 v25, v19  }
0x37: {  	v25 =	vand.u32 $0x7F, v26;
	v20 =	vadd.s32 v22, v20;
	v26 =	vshrl.u32 v23, $0x10  }
0x38: {  	v21 =	vld [tilespmem:s18+$0x70];
	v20 =	vor.u32 v25, v20;
	v25 =	vshll.u32 v23, $0x7;
	v23 =	vshrl.u32 v24, $0x10  }
0x39: {  	v31 =	vand.u32 $0x7F, v26;
	v26 =	vand.u32 $0xFF80, v26;
	v32 =	vand.u32 $0x7FFF80, v25  }
0x3a: {  	v29 =	vld [tilespmem:s18+$0x50];
	v25 =	vshll.u32 v24, $0x7;
	v24 =	vshrl.u32 v28, $0x10;
	v28 =	vshll.u32 v28, $0x7  }
0x3b: {  	v17 =	vshrl.u32 v18, $0x10;
	v28 =	vand.u32 $0x7FFF80, v28;
	v26 =	vadd.s32 v26, v32  }
0x3c: {  	v33 =	vand.u32 $0xFF80, v24;
	v62 =	vand.u32 $0x7F, v24;
	v24 =	vor.u32 v31, v26;
	v31 =	vld [tilespmem:s18+$0x30]  }
0x3d: {  	v18 =	vshll.u32 v18, $0x7;
	v22 =	vshll.u32 v21, $0x7;
	v28 =	vadd.s32 v33, v28;
	v33 =	vld [tilespmem:s14+$0x10]  }
0x3e: {  	s17 =	simm.s32 $0x0;
	v18 =	vand.u32 $0x7FFF80, v18;
	v21 =	vshrl.u32 v21, $0x10;
	v22 =	vand.u32 $0x7FFF80, v22;
	v32 =	vld [tilespmem:s18+$0x20]  }
0x3f: {  	s15 =	simm.s32 $0x2;
	s16 =	simm.s32 $0x0;
	v34 =	vld [tilespmem:s14+$0x0];
	s14 =	simm.s32 $0x0;
	v26 =	vor.u32 v62, v28;
	v28 =	vshrl.u32 v29, $0x10;
	v29 =	vshll.u32 v29, $0x7  }
.LBB2_2:
0x40: {  	p0 =	sne.s32 s15, $0x3E;
	v38 =	vand.u32 $0x7FFF80, v38;
	v39 =	vand.u32 $0xFF80, v36;
	v35 =	vor.u32 v35, v37  }
0x41: {  	v36 =	vand.u32 $0x7F, v36;
	v37 =	vadd.s32 v39, v38;
	v38 =	vshrl.u32 v31, $0x10  }
0x42: {  	v39 =	vshrl.u32 v33, $0x10;
	v33 =	vshll.u32 v33, $0x7;
	v36 =	vor.u32 v36, v37;
	v37 =	vld [tilespmem:s18+$0x0]  }
0x43: {  	v40 =	vand.u32 $0x7F, v39;
	v33 =	vand.u32 $0x7FFF80, v33;
	v41 =	vld [tilespmem:s18+$0x10];
	v42 =	vshrl.u32 v32, $0x10  }
0x44: {  	v39 =	vand.u32 $0xFF80, v39;
	v43 =	vshrl.u32 v34, $0x10;
	v34 =	vshll.u32 v34, $0x7  }
0x45: {  	v33 =	vadd.s32 v39, v33;
	v34 =	vand.u32 $0x7FFF80, v34;
	v44 =	vand.u32 $0xFF80, v43  }
0x46: {  	v39 =	vand.u32 $0x7F, v43;
	v33 =	vor.u32 v40, v33;
	v34 =	vadd.s32 v44, v34  }
0x47: {  	v34 =	vor.u32 v39, v34;
	v39 =	vshrl.u32 v37, $0x10;
	v37 =	vshll.u32 v37, $0x7  }
0x48: {  	v37 =	vand.u32 $0x7FFF80, v37;
	v40 =	vand.u32 $0xFF80, v39;
	v43 =	vshrl.u32 v41, $0x10  }
0x49: {  	v39 =	vand.u32 $0x7F, v39;
	v37 =	vadd.s32 v40, v37;
	v40 =	vshll.u32 v41, $0x7  }
0x4a: {  	v37 =	vor.u32 v39, v37;
	v39 =	vand.u32 $0x7FFF80, v40;
	v40 =	vand.u32 $0xFF80, v43  }
0x4b: {  	v32 =	vshll.u32 v32, $0x7;
	v41 =	vand.u32 $0x7F, v43;
	v39 =	vadd.s32 v40, v39  }
0x4c: {  	v32 =	vand.u32 $0x7FFF80, v32;
	v40 =	vand.u32 $0xFF80, v42;
	v34 =	vld.idx.msk [tilespmem:v34+s2+$0x0], $0xffff;
	v39 =	vor.u32 v41, v39  }
0x4d: {  	v31 =	vshll.u32 v31, $0x7;
	v41 =	vand.u32 $0x7F, v42;
	v32 =	vadd.s32 v40, v32;
	v16 =	vld.idx.msk [tilespmem:v16+s2+$0x0], $0xffff  }
0x4e: {  	v31 =	vand.u32 $0x7FFF80, v31;
	v40 =	vand.u32 $0xFF80, v38;
	v32 =	vor.u32 v41, v32;
	v33 =	vld.idx.msk [tilespmem:v33+s2+$0x0], $0xffff  }
0x4f: {  	v27 =	vshll.u32 v27, $0x7;
	v38 =	vand.u32 $0x7F, v38;
	v31 =	vadd.s32 v40, v31;
	v37 =	vld.idx.msk [tilespmem:v37+s2+$0x0], $0xffff  }
0x50: {  	v27 =	vand.u32 $0x7FFF80, v27;
	v31 =	vor.u32 v38, v31;
	v38 =	vand.u32 $0xFF80, v30;
	v36 =	vld.idx.msk [tilespmem:v36+s2+$0x0], $0xffff  }
0x51: {  	v29 =	vand.u32 $0x7FFF80, v29;
	v30 =	vand.u32 $0x7F, v30;
	v27 =	vadd.s32 v38, v27;
	v39 =	vld.idx.msk [tilespmem:v39+s2+$0x0], $0xffff  }
0x52: {  	v27 =	vor.u32 v30, v27;
	v30 =	vand.u32 $0xFF80, v28;
	v34 =	vadd.f32 $0.0e+00, v34;
	v35 =	vld.idx.msk [tilespmem:v35+s2+$0x0], $0xffff  }
0x53: {  	v25 =	vand.u32 $0x7FFF80, v25;
	v28 =	vand.u32 $0x7F, v28;
	v29 =	vadd.s32 v30, v29;
	v32 =	vld.idx.msk [tilespmem:v32+s2+$0x0], $0xffff  }
0x54: {  	v28 =	vor.u32 v28, v29;
	v29 =	vand.u32 $0xFF80, v23;
	v30 =	vadd.f32 v33, v34;
	v26 =	vld.idx.msk [tilespmem:v26+s2+$0x0], $0xffff  }
0x55: {  	v23 =	vand.u32 $0x7F, v23;
	v25 =	vadd.s32 v29, v25;
	v33 =	vadd.f32 $0.0e+00, v37;
	v31 =	vld.idx.msk [tilespmem:v31+s2+$0x0], $0xffff  }
0x56: {  	v23 =	vor.u32 v23, v25;
	v25 =	vand.u32 $0xFF80, v21;
	v29 =	vadd.f32 v36, v30;
	v24 =	vld.idx.msk [tilespmem:v24+s2+$0x0], $0xffff  }
0x57: {  	v21 =	vand.u32 $0x7F, v21;
	v22 =	vadd.s32 v25, v22;
	v30 =	vadd.f32 v39, v33;
	v27 =	vld.idx.msk [tilespmem:v27+s2+$0x0], $0xffff  }
0x58: {  	v21 =	vor.u32 v21, v22;
	v22 =	vand.u32 $0xFF80, v17;
	v25 =	vadd.f32 v35, v29;
	v20 =	vld.idx.msk [tilespmem:v20+s2+$0x0], $0xffff  }
0x59: {  	v17 =	vand.u32 $0x7F, v17;
	v18 =	vadd.s32 v22, v18;
	v29 =	vadd.f32 v32, v30;
	v28 =	vld.idx.msk [tilespmem:v28+s2+$0x0], $0xffff  }
0x5a: {  	v17 =	vor.u32 v17, v18;
	v18 =	vand.u32 $0xFF80, v13;
	v22 =	vadd.f32 v26, v25;
	v19 =	vld.idx.msk [tilespmem:v19+s2+$0x0], $0xffff  }
0x5b: {  	v13 =	vand.u32 $0x7F, v13;
	v15 =	vadd.s32 v18, v15;
	v25 =	vadd.f32 v31, v29;
	v23 =	vld.idx.msk [tilespmem:v23+s2+$0x0], $0xffff  }
0x5c: {  	v13 =	vor.u32 v13, v15;
	v15 =	vand.u32 $0xFF80, v11;
	v18 =	vadd.f32 v24, v22;
	v14 =	vld.idx.msk [tilespmem:v14+s2+$0x0], $0xffff  }
0x5d: {  	v11 =	vand.u32 $0x7F, v11;
	v12 =	vadd.s32 v15, v12;
	v22 =	vadd.f32 v27, v25;
	v21 =	vld.idx.msk [tilespmem:v21+s2+$0x0], $0xffff  }
0x5e: {  	v11 =	vor.u32 v11, v12;
	v12 =	vand.u32 $0xFF80, v7;
	v15 =	vadd.f32 v20, v18;
	v10 =	vld.idx.msk [tilespmem:v10+s2+$0x0], $0xffff  }
0x5f: {  	v7 =	vand.u32 $0x7F, v7;
	v8 =	vadd.s32 v12, v8;
	v18 =	vadd.f32 v28, v22;
	v17 =	vld.idx.msk [tilespmem:v17+s2+$0x0], $0xffff  }
0x60: {  	v5 =	vadd.s32 v6, v5;
	v7 =	vor.u32 v7, v8;
	v12 =	vadd.f32 v19, v15;
	v9 =	vld.idx.msk [tilespmem:v9+s2+$0x0], $0xffff  }
0x61: {  	v4 =	vor.u32 v4, v5;
	v6 =	vadd.f32 v23, v18;
	v8 =	vld.idx.msk [tilespmem:v13+s2+$0x0], $0xffff  }
0x62: {  	v5 =	vadd.f32 v14, v12;
	v3 =	vld.idx.msk [tilespmem:v3+s2+$0x0], $0xffff  }
0x63: {  	v6 =	vadd.f32 v21, v6;
	v11 =	vld.idx.msk [tilespmem:v11+s2+$0x0], $0xffff  }
0x64: {  	v5 =	vadd.f32 v10, v5  }
0x65: {  	v6 =	vadd.f32 v17, v6;
	v7 =	vld.idx.msk [tilespmem:v7+s2+$0x0], $0xffff  }
0x66: {  	v5 =	vadd.f32 v9, v5;
	v4 =	vld.idx.msk [tilespmem:v4+s2+$0x0], $0xffff  }
0x67: {  	v6 =	vadd.f32 v8, v6  }
0x68: {  	v5 =	vadd.f32 v16, v5  }
0x69: {  	v3 =	vsel vm0, $0x0, v3;
	v6 =	vadd.f32 v11, v6  }
0x6a: {  	v3 =	vadd.f32 v3, v5  }
0x6b: {  	v5 =	vadd.f32 v7, v6  }
0x6c: {  	v4 =	vsel vm0, $0x0, v4;
	(xrf2) =	vadd.scan.msk.f32 $0xffff, v3  }
0x6d: {  	v3 =	vadd.f32 v4, v5;
	_ =	sdelay $0x1  }
0x6e: {  	(xrf2) =	vadd.scan.msk.f32 $0xffff, v3;
	_ =	sdelay $0x3  }
0x6f: {  	v3 =	vmov s14  }
0x70: {  	v3 =	vand.u32 $0xFFFFFFFE, v3  }
0x71: {  	v3 =	vbroadcast v3, $0x0  }
0x72: {  	s18 =	sadd.s32 $0x1, s14;
	s14 =	smov.u32 s15;
	v4, _, _ =	vpop (xrf2)  }
0x73: {  	v5 =	vmov s18;
	_ =	sdelay $0x1  }
0x74: {  	s16 =	sadd.s32 $0x200, s16;
	v4 =	vbroadcast v4, $0xF;
	v6, _, _ =	vpop (xrf2)  }
0x75: {  	s17 =	sadd.s32 $0x100, s17;
	s18 =	sand.u32 $0x3800, s16;
	v6 =	vbroadcast v6, $0xF  }
0x76: {  	s19 =	sand.u32 $0x300, s17;
	s18 =	sadd.s32 $0x2000, s18;
	[tilespmem:v3+s10+$0x0] =	vst.idx.msk $0x1, v4  }
0x77: {  	s19 =	sor.u32 s19, s18;
	[tilespmem:v5+s10+$0x0] =	vst.idx.msk $0x1, v6  }
0x78: {  	v3 =	vld [tilespmem:s19+$0x430];
	_ =	sdelay $0x1  }
0x79: {  	s20 =	sadd.s32 $0x80, s17  }
0x7a: {  	s20 =	sand.u32 $0x380, s20;
	v4 =	vld [tilespmem:s19+$0x438]  }
0x7b: {  	s18 =	sor.u32 s20, s18  }
0x7c: {  	v5 =	vshrl.u32 v3, $0x10;
	v3 =	vshll.u32 v3, $0x7;
	v6 =	vld [tilespmem:s18+$0x438]  }
0x7d: {  	v3 =	vand.u32 $0x7FFF80, v3;
	v7 =	vand.u32 $0xFF80, v5  }
0x7e: {  	v5 =	vand.u32 $0x7F, v5;
	v3 =	vadd.s32 v7, v3;
	v8 =	vld [tilespmem:s18+$0x430]  }
0x7f: {  	v9 =	vld [tilespmem:s19+$0x420];
	v16 =	vor.u32 v5, v3;
	v3 =	vshrl.u32 v4, $0x10;
	v4 =	vshll.u32 v4, $0x7  }
0x80: {  	v5 =	vand.u32 $0x7F, v3;
	v4 =	vand.u32 $0x7FFF80, v4;
	v3 =	vand.u32 $0xFF80, v3  }
0x81: {  	v10 =	vld [tilespmem:s19+$0x410];
	v3 =	vadd.s32 v3, v4;
	v11 =	vshrl.u32 v6, $0x10;
	v6 =	vshll.u32 v6, $0x7  }
0x82: {  	v3 =	vor.u32 v5, v3;
	v4 =	vand.u32 $0x7F, v11;
	v5 =	vand.u32 $0x7FFF80, v6  }
0x83: {  	v6 =	vand.u32 $0xFF80, v11;
	v12 =	vld [tilespmem:s18+$0x420];
	v7 =	vshrl.u32 v8, $0x10;
	v8 =	vshll.u32 v8, $0x7  }
0x84: {  	v11 =	vshrl.u32 v9, $0x10;
	v9 =	vshll.u32 v9, $0x7;
	v14 =	vld [tilespmem:s18+$0x410];
	v8 =	vand.u32 $0x7FFF80, v8  }
0x85: {  	v13 =	vld [tilespmem:s19+$0x400];
	v15 =	vand.u32 $0x7F, v11;
	v9 =	vand.u32 $0x7FFF80, v9;
	v11 =	vand.u32 $0xFF80, v11  }
0x86: {  	v17 =	vshrl.u32 v10, $0x10;
	v10 =	vshll.u32 v10, $0x7;
	v9 =	vadd.s32 v11, v9  }
0x87: {  	v10 =	vand.u32 $0x7FFF80, v10;
	v11 =	vand.u32 $0xFF80, v17;
	v9 =	vor.u32 v15, v9  }
0x88: {  	v15 =	vand.u32 $0x7F, v17;
	v10 =	vadd.s32 v11, v10;
	v18 =	vld [tilespmem:s18+$0x400];
	v17 =	vshll.u32 v12, $0x7  }
0x89: {  	v11 =	vshrl.u32 v12, $0x10;
	v19 =	vld [tilespmem:s19+$0x70];
	v10 =	vor.u32 v15, v10;
	v12 =	vand.u32 $0x7FFF80, v17  }
0x8a: {  	v15 =	vshrl.u32 v13, $0x10;
	v17 =	vshll.u32 v13, $0x7;
	v13 =	vshrl.u32 v14, $0x10  }
0x8b: {  	v14 =	vshll.u32 v14, $0x7;
	v20 =	vld [tilespmem:s19+$0x60];
	v17 =	vand.u32 $0x7FFF80, v17;
	v21 =	vand.u32 $0xFF80, v15  }
0x8c: {  	v22 =	vand.u32 $0x7F, v15;
	v15 =	vand.u32 $0x7FFF80, v14;
	v17 =	vadd.s32 v21, v17  }
0x8d: {  	v14 =	vor.u32 v22, v17;
	v21 =	vld [tilespmem:s18+$0x70];
	v17 =	vshrl.u32 v18, $0x10;
	v18 =	vshll.u32 v18, $0x7  }
0x8e: {  	v22 =	vshrl.u32 v19, $0x10;
	v19 =	vshll.u32 v19, $0x7;
	v24 =	vld [tilespmem:s18+$0x60];
	v18 =	vand.u32 $0x7FFF80, v18  }
0x8f: {  	v23 =	vld [tilespmem:s19+$0x50];
	v25 =	vand.u32 $0x7F, v22;
	v19 =	vand.u32 $0x7FFF80, v19;
	v22 =	vand.u32 $0xFF80, v22  }
0x90: {  	v26 =	vshrl.u32 v20, $0x10;
	v20 =	vshll.u32 v20, $0x7;
	v19 =	vadd.s32 v22, v19  }
0x91: {  	v28 =	vld [tilespmem:s19+$0x40];
	v20 =	vand.u32 $0x7FFF80, v20;
	v22 =	vand.u32 $0xFF80, v26;
	v19 =	vor.u32 v25, v19  }
0x92: {  	v25 =	vand.u32 $0x7F, v26;
	v20 =	vadd.s32 v22, v20;
	v22 =	vshll.u32 v21, $0x7  }
0x93: {  	v21 =	vshrl.u32 v21, $0x10;
	v20 =	vor.u32 v25, v20;
	v29 =	vld [tilespmem:s18+$0x50];
	v22 =	vand.u32 $0x7FFF80, v22  }
0x94: {  	v26 =	vshrl.u32 v23, $0x10;
	v25 =	vshll.u32 v23, $0x7;
	v27 =	vld [tilespmem:s18+$0x40];
	v23 =	vshrl.u32 v24, $0x10  }
0x95: {  	v30 =	vld [tilespmem:s19+$0x30];
	v31 =	vand.u32 $0x7F, v26;
	v32 =	vand.u32 $0x7FFF80, v25;
	v25 =	vshll.u32 v24, $0x7  }
0x96: {  	v26 =	vand.u32 $0xFF80, v26;
	v24 =	vshrl.u32 v28, $0x10;
	v28 =	vshll.u32 v28, $0x7  }
0x97: {  	v26 =	vadd.s32 v26, v32;
	v37 =	vld [tilespmem:s19+$0x20];
	v28 =	vand.u32 $0x7FFF80, v28;
	v33 =	vand.u32 $0xFF80, v24  }
.Ltmp0:
0x98: {  	v32 =	vand.u32 $0x7F, v24;
	v24 =	vor.u32 v31, v26;
	v28 =	vadd.s32 v33, v28;
	(pc) =	sbr.rel @p0 .LBB2_2-.Ltmp0, $4  }
0x99: {  	v26 =	vor.u32 v32, v28;
	v31 =	vld [tilespmem:s18+$0x30];
	v28 =	vshrl.u32 v29, $0x10;
	v29 =	vshll.u32 v29, $0x7  }
0x9a: {  	v33 =	vld [tilespmem:s19+$0x10];
	v32 =	vshrl.u32 v30, $0x10;
	v34 =	vshll.u32 v30, $0x7;
	v30 =	vshrl.u32 v27, $0x10  }
0x9b: {  	v35 =	vand.u32 $0x7F, v32;
	v39 =	vand.u32 $0x7FFF80, v34;
	v40 =	vand.u32 $0xFF80, v32;
	v32 =	vld [tilespmem:s18+$0x20]  }
0x9c: {  	s15 =	sadd.s32 $0x2, s15;
	v34 =	vld [tilespmem:s19+$0x0];
	v36 =	vshrl.u32 v37, $0x10;
	v38 =	vshll.u32 v37, $0x7;
	v37 =	vadd.s32 v40, v39  }
0x9d: {  	v38 =	vand.u32 $0x7FFF80, v38;
	v39 =	vand.u32 $0xFF80, v36;
	v35 =	vor.u32 v35, v37  }
0x9e: {  	v45 =	vand.u32 $0x7F, v36;
	v49 =	vld [tilespmem:s18+$0x0];
	v46 =	vadd.s32 v39, v38;
	v38 =	vshrl.u32 v31, $0x10  }
0x9f: {  	v41 =	vld [tilespmem:s18+$0x10];
	v62 =	vshll.u32 v31, $0x7;
	v47 =	vshrl.u32 v33, $0x10;
	v48 =	vshll.u32 v33, $0x7  }
0xa0: {  	v40 =	vand.u32 $0x7F, v47;
	v33 =	vand.u32 $0x7FFF80, v48;
	v42 =	vshrl.u32 v32, $0x10  }
0xa1: {  	v39 =	vand.u32 $0xFF80, v47;
	v59 =	vshll.u32 v32, $0x7;
	v50 =	vshll.u32 v34, $0x7  }
0xa2: {  	v43 =	vshrl.u32 v34, $0x10;
	v33 =	vadd.s32 v39, v33;
	v34 =	vand.u32 $0x7FFF80, v50  }
0xa3: {  	v44 =	vand.u32 $0xFF80, v43;
	v51 =	vand.u32 $0x7F, v43;
	v52 =	vshrl.u32 v49, $0x10  }
0xa4: {  	v37 =	vshll.u32 v49, $0x7;
	v54 =	vshrl.u32 v41, $0x10;
	v55 =	vshll.u32 v41, $0x7  }
0xa5: {  	v34 =	vadd.s32 v44, v34;
	v37 =	vand.u32 $0x7FFF80, v37;
	v53 =	vand.u32 $0xFF80, v52  }
0xa6: {  	v39 =	vand.u32 $0x7F, v52;
	v34 =	vor.u32 v51, v34;
	v37 =	vadd.s32 v53, v37  }
0xa7: {  	v56 =	vand.u32 $0x7FFF80, v55;
	v57 =	vand.u32 $0xFF80, v54;
	v37 =	vor.u32 v39, v37  }
0xa8: {  	v33 =	vor.u32 v40, v33;
	v58 =	vand.u32 $0x7F, v54;
	v39 =	vadd.s32 v57, v56  }
0xa9: {  	v32 =	vand.u32 $0x7FFF80, v59;
	v60 =	vand.u32 $0xFF80, v42;
	v39 =	vor.u32 v58, v39  }
0xaa: {  	v16 =	vld.idx.msk [tilespmem:v16+s2+$0x0], $0xffff;
	v36 =	vor.u32 v45, v46;
	v61 =	vand.u32 $0x7F, v42;
	v32 =	vadd.s32 v60, v32  }
0xab: {  	v31 =	vand.u32 $0x7FFF80, v62;
	v63 =	vand.u32 $0xFF80, v38;
	v32 =	vor.u32 v61, v32;
	v34 =	vld.idx.msk [tilespmem:v34+s2+$0x0], $0xffff  }
0xac: {  	v27 =	vshll.u32 v27, $0x7;
	v38 =	vand.u32 $0x7F, v38;
	v31 =	vadd.s32 v63, v31;
	v37 =	vld.idx.msk [tilespmem:v37+s2+$0x0], $0xffff  }
0xad: {  	v27 =	vand.u32 $0x7FFF80, v27;
	v31 =	vor.u32 v38, v31;
	v42 =	vand.u32 $0xFF80, v30;
	v33 =	vld.idx.msk [tilespmem:v33+s2+$0x0], $0xffff  }
0xae: {  	v29 =	vand.u32 $0x7FFF80, v29;
	v43 =	vand.u32 $0x7F, v30;
	v27 =	vadd.s32 v42, v27;
	v39 =	vld.idx.msk [tilespmem:v39+s2+$0x0], $0xffff  }
0xaf: {  	v25 =	vand.u32 $0x7FFF80, v25;
	v27 =	vor.u32 v43, v27;
	v44 =	vand.u32 $0xFF80, v28;
	v36 =	vld.idx.msk [tilespmem:v36+s2+$0x0], $0xffff  }
0xb0: {  	v45 =	vand.u32 $0x7F, v28;
	v29 =	vadd.s32 v44, v29;
	v32 =	vld.idx.msk [tilespmem:v32+s2+$0x0], $0xffff;
	v34 =	vadd.f32 $0.0e+00, v34  }
0xb1: {  	v47 =	vand.u32 $0xFF80, v23;
	v46 =	vld.idx.msk [tilespmem:v35+s2+$0x0], $0xffff;
	v28 =	vor.u32 v45, v29;
	v48 =	vadd.f32 $0.0e+00, v37  }
0xb2: {  	v25 =	vadd.s32 v47, v25;
	v49 =	vand.u32 $0x7F, v23;
	v31 =	vld.idx.msk [tilespmem:v31+s2+$0x0], $0xffff;
	v33 =	vadd.f32 v33, v34  }
0xb3: {  	v26 =	vld.idx.msk [tilespmem:v26+s2+$0x0], $0xffff;
	v50 =	vand.u32 $0xFF80, v21;
	v23 =	vor.u32 v49, v25;
	v51 =	vadd.f32 v39, v48  }
0xb4: {  	v52 =	vand.u32 $0x7F, v21;
	v22 =	vadd.s32 v50, v22;
	v27 =	vld.idx.msk [tilespmem:v27+s2+$0x0], $0xffff;
	v33 =	vadd.f32 v36, v33  }
0xb5: {  	v24 =	vld.idx.msk [tilespmem:v24+s2+$0x0], $0xffff;
	v21 =	vor.u32 v52, v22;
	v53 =	vand.u32 $0xFF80, v17;
	v54 =	vadd.f32 v32, v51  }
0xb6: {  	v56 =	vand.u32 $0x7F, v17;
	v18 =	vadd.s32 v53, v18;
	v28 =	vld.idx.msk [tilespmem:v28+s2+$0x0], $0xffff;
	v55 =	vadd.f32 v46, v33  }
0xb7: {  	v20 =	vld.idx.msk [tilespmem:v20+s2+$0x0], $0xffff;
	v57 =	vand.u32 $0xFF80, v13;
	v17 =	vor.u32 v56, v18;
	v58 =	vadd.f32 v31, v54  }
0xb8: {  	v13 =	vand.u32 $0x7F, v13;
	v15 =	vadd.s32 v57, v15;
	v23 =	vld.idx.msk [tilespmem:v23+s2+$0x0], $0xffff;
	v59 =	vadd.f32 v26, v55  }
0xb9: {  	v60 =	vld.idx.msk [tilespmem:v19+s2+$0x0], $0xffff;
	v13 =	vor.u32 v13, v15;
	v15 =	vand.u32 $0xFF80, v11;
	v61 =	vadd.f32 v27, v58  }
0xba: {  	v11 =	vand.u32 $0x7F, v11;
	v12 =	vadd.s32 v15, v12;
	v21 =	vld.idx.msk [tilespmem:v21+s2+$0x0], $0xffff;
	v62 =	vadd.f32 v24, v59  }
0xbb: {  	v14 =	vld.idx.msk [tilespmem:v14+s2+$0x0], $0xffff;
	v11 =	vor.u32 v11, v12;
	v12 =	vand.u32 $0xFF80, v7;
	v15 =	vadd.f32 v28, v61  }
0xbc: {  	v7 =	vand.u32 $0x7F, v7;
	v8 =	vadd.s32 v12, v8;
	v17 =	vld.idx.msk [tilespmem:v17+s2+$0x0], $0xffff;
	v63 =	vadd.f32 v20, v62  }
0xbd: {  	v10 =	vld.idx.msk [tilespmem:v10+s2+$0x0], $0xffff;
	v5 =	vadd.s32 v6, v5;
	v7 =	vor.u32 v7, v8;
	v6 =	vadd.f32 v23, v15  }
0xbe: {  	v4 =	vor.u32 v4, v5;
	v12 =	vld.idx.msk [tilespmem:v13+s2+$0x0], $0xffff;
	v8 =	vadd.f32 v60, v63  }
0xbf: {  	v5 =	vld.idx.msk [tilespmem:v9+s2+$0x0], $0xffff;
	v6 =	vadd.f32 v21, v6  }
0xc0: {  	v9 =	vld.idx.msk [tilespmem:v11+s2+$0x0], $0xffff;
	v8 =	vadd.f32 v14, v8  }
0xc1: {  	v3 =	vld.idx.msk [tilespmem:v3+s2+$0x0], $0xffff;
	v6 =	vadd.f32 v17, v6  }
0xc2: {  	v7 =	vld.idx.msk [tilespmem:v7+s2+$0x0], $0xffff;
	v8 =	vadd.f32 v10, v8  }
0xc3: {  	v4 =	vld.idx.msk [tilespmem:v4+s2+$0x0], $0xffff;
	v6 =	vadd.f32 v12, v6  }
0xc4: {  	v5 =	vadd.f32 v5, v8  }
0xc5: {  	v6 =	vadd.f32 v9, v6  }
0xc6: {  	v5 =	vadd.f32 v16, v5  }
0xc7: {  	v3 =	vsel vm0, $0x0, v3;
	v6 =	vadd.f32 v7, v6  }
0xc8: {  	v4 =	vsel vm0, $0x0, v4;
	v3 =	vadd.f32 v3, v5  }
0xc9: {  	v4 =	vadd.f32 v4, v6  }
0xca: {  	(xrf2) =	vadd.scan.msk.f32 $0xffff, v3  }
0xcb: {  	(xrf2) =	vadd.scan.msk.f32 $0xffff, v4;
	_ =	sdelay $0x3  }
0xcc: {  	v3 =	vmov s14  }
0xcd: {  	v3 =	vand.u32 $0xFFFFFFFE, v3  }
0xce: {  	v3 =	vbroadcast v3, $0x0  }
0xcf: {  	s30 =	sadd.s32 $0x1, s14  }
0xd0: {  	v4 =	vmov s30  }
0xd1: {  	v5, _, _ =	vpop (xrf2)  }
0xd2: {  	v5 =	vbroadcast v5, $0xF;
	v6, _, _ =	vpop (xrf2)  }
0xd3: {  	v6 =	vbroadcast v6, $0xF  }
0xd4: {  	[tilespmem:v3+s10+$0x0] =	vst.idx.msk $0x1, v5  }
0xd5: {  	s31 =	simm.s32 $0x0;
	[tilespmem:v4+s10+$0x0] =	vst.idx.msk $0x1, v6  }
0xd6: {  	[hbm4b:s6+s31] =	stream.linear.scatter [tilespmem:s10], [sflag:$0x2], $0x40, $0x38;
	[tilespmem:$0x6100] =	vst v63  }
0xd7: {  	_ =	swait.ge [sflag:s11], $0x40  }
0xd8: {  	[sflag:s11] =	ssyncset.done $0x0  }
0xd9: {  	s15 =	simm.s32 $0x0;
	[sflag:s11] =	ssyncadd.s32 $0xFFFFFFC0  }
0xda: {  	v3 =	vld.idx.msk [tilespmem:v2+s15+$0xFFFFFFC0 ss:$0x1], $0xffff  }
0xdb: {  	v4 =	vld.idx.msk [tilespmem:v2+s15+$0xFFFFFFD0 ss:$0x1], $0xffff;
	_ =	sdelay $0x1  }
0xdc: {  	v5 =	vld.idx.msk [tilespmem:v2+s15+$0xFFFFFFE0 ss:$0x1], $0xffff  }
0xdd: {  	v6 =	vld.idx.msk [tilespmem:v2+s15+$0xFFFFFFF0 ss:$0x1], $0xffff  }
0xde: {  	v10 =	vld.idx.msk [tilespmem:v2+s15+$0x10 ss:$0x1], $0xffff  }
0xdf: {  	s14 =	simm.s32 $0x80;
	v9 =	vld.idx.msk [tilespmem:v2+s15+$0x0 ss:$0x1], $0xffff;
	v3 =	vand.u32 $0x7FFFFFFF, v3;
	v4 =	vand.u32 $0x7FFFFFFF, v4  }
0xe0: {  	v11 =	vld.idx.msk [tilespmem:v2+s14+$0xFFFFFFC0 ss:$0x1], $0xffff;
	v3 =	vadd.f32 v4, v3  }
0xe1: {  	v12 =	vld.idx.msk [tilespmem:v2+s14+$0xFFFFFFD0 ss:$0x1], $0xffff;
	v4 =	vand.u32 $0x7FFFFFFF, v5  }
0xe2: {  	v8 =	vld.idx.msk [tilespmem:v2+s14+$0xFFFFFFE0 ss:$0x1], $0xffff;
	v3 =	vadd.f32 v4, v3  }
0xe3: {  	v7 =	vld.idx.msk [tilespmem:v2+s14+$0xFFFFFFF0 ss:$0x1], $0xffff;
	v4 =	vand.u32 $0x7FFFFFFF, v6  }
0xe4: {  	v5 =	vld.idx.msk [tilespmem:v2+s15+$0x20 ss:$0x1], $0xffff;
	v3 =	vadd.f32 v4, v3  }
0xe5: {  	v9 =	vand.u32 $0x7FFFFFFF, v9;
	v6 =	vld.idx.msk [tilespmem:v2+s14+$0x10 ss:$0x1], $0xffff  }
0xe6: {  	v4 =	vld.idx.msk [tilespmem:v2+s15+$0x30 ss:$0x1], $0xffff;
	s15 =	simm.s32 $0x100;
	v13 =	vadd.f32 v9, v3  }
0xe7: {  	v11 =	vand.u32 $0x7FFFFFFF, v11;
	v12 =	vand.u32 $0x7FFFFFFF, v12;
	v14 =	vand.u32 $0x7FFFFFFF, v10;
	v10 =	vld.idx.msk [tilespmem:v2+s15+$0xFFFFFFC0 ss:$0x1], $0xffff  }
0xe8: {  	s16 =	simm.s32 $0x600;
	v12 =	vadd.f32 v12, v11;
	v9 =	vld.idx.msk [tilespmem:v2+s14+$0x0 ss:$0x1], $0xffff;
	v3 =	vimm.f32 $0.0e+00;
	v11 =	vadd.f32 v14, v13  }
.LBB2_4:
0xe9: {  	p0 =	sne.s32 s16, $0x3E00;
	v13 =	vld.idx.msk [tilespmem:v2+s15+$0xFFFFFFD0 ss:$0x1], $0xffff;
	v8 =	vand.u32 $0x7FFFFFFF, v8;
	v14 =	vand.u32 $0x7FFFFFFF, v5  }
0xea: {  	v12 =	vadd.f32 v8, v12;
	v5 =	vld.idx.msk [tilespmem:v2+s14+$0x20 ss:$0x1], $0xffff;
	v11 =	vadd.f32 v14, v11  }
0xeb: {  	v15 =	vand.u32 $0x7FFFFFFF, v4;
	v7 =	vand.u32 $0x7FFFFFFF, v7;
	v8 =	vld.idx.msk [tilespmem:v2+s15+$0xFFFFFFE0 ss:$0x1], $0xffff  }
.Ltmp1:
0xec: {  	v12 =	vadd.f32 v7, v12;
	v4 =	vld.idx.msk [tilespmem:v2+s14+$0x30 ss:$0x1], $0xffff;
	v11 =	vadd.f32 v15, v11;
	v14 =	vmov v6;
	s14 =	smov.u32 s15;
	(pc) =	sbr.rel @p0 .LBB2_4-.Ltmp1, $4  }
0xed: {  	v9 =	vand.u32 $0x7FFFFFFF, v9;
	v7 =	vld.idx.msk [tilespmem:v2+s14+$0xFFFFFFF0 ss:$0x1], $0xffff  }
0xee: {  	v6 =	vld.idx.msk [tilespmem:v2+s14+$0x10 ss:$0x1], $0xffff;
	v15 =	vadd.f32 v9, v12;
	v3 =	vadd.f32 v11, v3  }
0xef: {  	s15 =	sshra.s32 s16, $0x2;
	v11 =	vand.u32 $0x7FFFFFFF, v10;
	v12 =	vand.u32 $0x7FFFFFFF, v13;
	v13 =	vand.u32 $0x7FFFFFFF, v14;
	v9 =	vld.idx.msk [tilespmem:v2+s14+$0x0 ss:$0x1], $0xffff  }
0xf0: {  	s16 =	sadd.s32 $0x200, s16;
	v12 =	vadd.f32 v12, v11;
	v10 =	vld.idx.msk [tilespmem:v2+s15+$0xFFFFFFC0 ss:$0x1], $0xffff;
	v11 =	vadd.f32 v13, v15  }
0xf1: {  	_ =	sdelay $0x3  }
0xf2: {  	v13 =	vld.idx.msk [tilespmem:v2+s15+$0xFFFFFFD0 ss:$0x1], $0xffff;
	_ =	sdelay $0x1  }
0xf3: {  	v14 =	vld.idx.msk [tilespmem:v2+s15+$0xFFFFFFE0 ss:$0x1], $0xffff;
	_ =	sdelay $0x1  }
0xf4: {  	v15 =	vld.idx.msk [tilespmem:v2+s15+$0xFFFFFFF0 ss:$0x1], $0xffff  }
0xf5: {  	v8 =	vand.u32 $0x7FFFFFFF, v8;
	v10 =	vand.u32 $0x7FFFFFFF, v10;
	v13 =	vand.u32 $0x7FFFFFFF, v13  }
0xf6: {  	v49 =	vld.idx.msk [tilespmem:v2+s15+$0x0 ss:$0x1], $0xffff;
	v8 =	vadd.f32 v8, v12;
	v10 =	vadd.f32 v13, v10  }
0xf7: {  	v50 =	vld.idx.msk [tilespmem:v2+s14+$0x20 ss:$0x1], $0xffff;
	v7 =	vand.u32 $0x7FFFFFFF, v7;
	v14 =	vand.u32 $0x7FFFFFFF, v14  }
0xf8: {  	v51 =	vld.idx.msk [tilespmem:v2+s15+$0x10 ss:$0x1], $0xffff;
	v7 =	vadd.f32 v7, v8;
	v10 =	vadd.f32 v14, v10  }
0xf9: {  	v52 =	vld.idx.msk [tilespmem:v2+s14+$0x30 ss:$0x1], $0xffff;
	v9 =	vand.u32 $0x7FFFFFFF, v9;
	v15 =	vand.u32 $0x7FFFFFFF, v15  }
0xfa: {  	v5 =	vand.u32 $0x7FFFFFFF, v5;
	v54 =	vld.idx.msk [tilespmem:v2+s15+$0x20 ss:$0x1], $0xffff;
	v7 =	vadd.f32 v9, v7;
	v53 =	vadd.f32 v15, v10  }
0xfb: {  	v5 =	vadd.f32 v5, v11;
	v6 =	vand.u32 $0x7FFFFFFF, v6;
	v55 =	vand.u32 $0x7FFFFFFF, v49  }
0xfc: {  	v4 =	vand.u32 $0x7FFFFFFF, v4;
	v56 =	vld.idx.msk [tilespmem:v2+s15+$0x30 ss:$0x1], $0xffff;
	v6 =	vadd.f32 v6, v7;
	v9 =	vadd.f32 v55, v53  }
0xfd: {  	v4 =	vadd.f32 v4, v5;
	v57 =	vand.u32 $0x7FFFFFFF, v50;
	v8 =	vand.u32 $0x7FFFFFFF, v51  }
0xfe: {  	v5 =	vadd.f32 v57, v6;
	v58 =	vadd.f32 v8, v9  }
0xff: {  	v3 =	vadd.f32 v4, v3;
	v59 =	vand.u32 $0x7FFFFFFF, v52;
	v60 =	vand.u32 $0x7FFFFFFF, v54  }
0x100: {  	v4 =	vadd.f32 v59, v5;
	v61 =	vadd.f32 v60, v58  }
0x101: {  	v62 =	vand.u32 $0x7FFFFFFF, v56  }
0x102: {  	v3 =	vadd.f32 v4, v3;
	v63 =	vadd.f32 v62, v61;
	_ =	sdelay $0x1  }
0x103: {  	v3 =	vadd.f32 v63, v3;
	_ =	sdelay $0x1  }
0x104: {  	(xrf2) =	vadd.scan.msk.f32 $0xffff, v3;
	_ =	sdelay $0x9  }
0x105: {  	v3, _, _ =	vpop (xrf2)  }
0x106: {  	s13 =	sadd.s32 $0x1, s13;
	v3 =	vbroadcast v3, $0xF  }
0x107: {  	[tilespmem:$0x6080] =	vst v0;
	p0 =	sne.s32 s13, s8  }
.Ltmp2:
0x108: {  	[tilespmem:v1+s12+$0x0] =	vst.idx.msk $0x1, v3;
	(pc) =	sbr.rel @p0 .LBB2_1-.Ltmp2, $4  }
0x109: {  	[hbm4b:s7+s2] =	stream.linear.scatter [tilespmem:s12], [sflag:$0x2], $0x10, $0x38;
	[tilespmem:$0x6100] =	vst v63  }
0x10a: {  	_ =	swait.ge [sflag:s11], $0x10  }
0x10b: {  	[sflag:s11] =	ssyncset.done $0x0  }
0x10c: {  	[sflag:s11] =	ssyncadd.s32 $0xFFFFFFF0  }
0x10d: {  	_ =	sfence.sel $0x180000  }
0x10e: {  	[bflag:$0x0] =	sbarrier.arrive $0xFFFF  }
0x10f: {  	p0 =	sne.s32 s0, $0x0;
	_ =	strace $0x90000047  }
0x110: {  	s0 =	sadd.s32 @!p0 $0x100000, s1;
	[bflag:$0x2] =	sbarrier.arrive $0xFFFF  }
0x111: {  	[sflag:s0] =	ssyncadd.tile.s32 @!p0 $0x1;
	_ =	shalt  }
.Lfunc_end2:
_tile_overlayer_lowered:
.L_overlay_start_2:
0x112: {  	(tag) =	ssettag $0x2  }
0x113: {  	s0 =	rddreg [dreg:$0x0];
	s2 =	stileid.u32  }
0x114: {  	s1 =	rddreg [dreg:$0x1];
	p0 =	sne.s32 s2, $0x0  }
0x115: {  	s3 =	rddreg [dreg:$0x2];
	[bflag:$0x3] =	sbarrier.arrive $0xFFFF;
	s2 =	simm.s32 @!p0 $0x1C02  }
0x116: {  	[timem:s3], [sflag:s2] =	dma.local @!p0 [hbm:s0], s1  }
0x117: {  	s0 =	simm.s32 @!p0 $0x2  }
0x118: {  	_ =	swait.ge @!p0 [sflag:s0], s1  }
0x119: {  	s1 =	ssub.s32 @!p0 $0x0, s1;
	[sflag:s0] =	ssyncset.done @!p0 $0x0  }
0x11a: {  	[sflag:s0] =	ssyncadd.s32 @!p0 s1  }
0x11b: {  	[bflag:$0x3] =	sbarrier.arrive $0xFFFF  }
0x11c: {  	_ =	shalt  }

</sc_bundles>
